<compile_context>
chip_gen: v7x
topology: tpu7x:2x2x1
jax: 0.10.2.dev20260603
libtpu: 0.0.44.dev20260713+nightly
codegen_flags: <defaults>
</compile_context>

<pallas_src>
import functools

import jax
import jax.numpy as jnp
from jax import lax
from jax.experimental import pallas as pl
from jax.experimental.pallas import tpu as pltpu
from jax.experimental.pallas import tpu_sc as plsc

_MU = 0.02
_BINS = 10
_LOSS_WEIGHT = 1.0

_N = 2_000_000
_NR = 500_000
_R = 400
_NCH = _NR // _R
_VPC = _R * 4 // 16
_NW = 32
_PAIRS = 20


def _sc_histogram_pass(ptw):
    mesh = plsc.VectorSubcoreMesh(core_axis_name="c", subcore_axis_name="s")

    @functools.partial(
        pl.kernel,
        mesh=mesh,
        out_type=(
            jax.ShapeDtypeStruct((_NW, _BINS * 16), jnp.float32),
            jax.ShapeDtypeStruct((_NW, _BINS * 16), jnp.float32),
            jax.ShapeDtypeStruct((_NW, 16), jnp.float32),
        ),
        scratch_types=[
            pltpu.VMEM((2 * _R, 12), jnp.float32),
            pltpu.VMEM((_BINS * 16,), jnp.float32),
            pltpu.VMEM((_BINS * 16,), jnp.float32),
            pltpu.VMEM((16,), jnp.float32),
            pltpu.SemaphoreType.DMA,
            pltpu.SemaphoreType.DMA,
        ],
        compiler_params=pltpu.CompilerParams(needs_layout_passes=False),
    )
    def k(ptw_hbm, cnt_hbm, sum_hbm, tw_hbm,
          buf, cnt_h, sum_h, tw_buf, sem0, sem1):
        wid = lax.axis_index("s") * 2 + lax.axis_index("c")
        zero16 = jnp.zeros((16,), jnp.float32)
        for b in range(_BINS):
            cnt_h[pl.ds(b * 16, 16)] = zero16
            sum_h[pl.ds(b * 16, 16)] = zero16
        tw_buf[...] = zero16

        lane = lax.iota(jnp.int32, 16)
        rowpat = lax.shift_right_logical(lane, 2)
        colpat = lax.bitwise_and(lane, 3)
        mu = jnp.float32(_MU)
        mu2 = jnp.float32(_MU * _MU)

        def copy(gc, slot, sem):
            roff = pl.multiple_of(gc * _R, 8)
            dst = pl.ds(slot * _R, _R)
            return pltpu.make_async_copy(
                ptw_hbm.at[pl.ds(roff, _R), :], buf.at[dst, :], sem)

        def issue(gc, slot, sem):
            copy(gc, slot, sem).start()

        def drain(gc, slot, sem):
            copy(gc, slot, sem).wait()

        def compute(slot):
            base = slot * _R

            def vreg_body(i, carry):
                ridx = base + i * 4 + rowpat
                p = plsc.load_gather(buf, [ridx, colpat])
                t = plsc.load_gather(buf, [ridx, colpat + 4])
                w = plsc.load_gather(buf, [ridx, colpat + 8])
                d = p - t
                s = d * d + mu2
                ibits = lax.bitcast_convert_type(s, jnp.int32)
                seed = (jnp.int32(0x5F3759DF)
                        - lax.shift_right_logical(ibits, 1))
                y = lax.bitcast_convert_type(seed, jnp.float32)
                sh = jnp.float32(0.5) * s
                y = y * (jnp.float32(1.5) - sh * y * y)
                y = y * (jnp.float32(1.5) - sh * y * y)
                loss = s * y - mu
                g = jnp.abs(d) * y
                validf = jnp.where(w > 0, jnp.float32(1.0), jnp.float32(0.0))
                lwv = jnp.where(w > 0, loss * w, jnp.float32(0.0))
                b = jnp.clip((g * jnp.float32(10.0)).astype(jnp.int32), 0, 9)
                idx = b * 16 + lane
                plsc.addupdate_scatter(cnt_h, [idx], validf)
                plsc.addupdate_scatter(sum_h, [idx], lwv)
                plsc.addupdate(tw_buf.at[...], w)
                return carry

            lax.fori_loop(0, _VPC, vreg_body, 0)

        issue(wid, 0, sem0)

        def pair_body(i, carry):
            gc0 = wid + i * 2 * _NW
            gc1 = gc0 + _NW

            @pl.when(gc1 < _NCH)
            def _():
                issue(gc1, 1, sem1)

            @pl.when(gc0 < _NCH)
            def _():
                drain(gc0, 0, sem0)
                compute(0)

            @pl.when(gc0 + 2 * _NW < _NCH)
            def _():
                issue(gc0 + 2 * _NW, 0, sem0)

            @pl.when(gc1 < _NCH)
            def _():
                drain(gc1, 1, sem1)
                compute(1)

            return carry

        lax.fori_loop(0, _PAIRS, pair_body, 0)

        pltpu.sync_copy(cnt_h, cnt_hbm.at[wid])
        pltpu.sync_copy(sum_h, sum_hbm.at[wid])
        pltpu.sync_copy(tw_buf, tw_hbm.at[wid])

    return k(ptw)


def _epilogue_body(cnt_ref, sum_ref, tw_ref, o_ref):
    tot = jnp.maximum(jnp.sum(tw_ref[...]), 1.0)
    r = jnp.float32(0.0)
    nbins = jnp.float32(0.0)
    for b in range(_BINS):
        cb = jnp.sum(cnt_ref[:, b * 16:(b + 1) * 16])
        sb = jnp.sum(sum_ref[:, b * 16:(b + 1) * 16])
        pos = cb > 0
        nbins = nbins + jnp.where(pos, 1.0, 0.0)
        r = r + jnp.where(pos, (tot / jnp.maximum(cb, 1.0)) * sb, 0.0)
    r = r / jnp.maximum(nbins, 1.0)
    o_ref[0, 0] = r * jnp.float32(_LOSS_WEIGHT / _N)


def kernel(pred, target, weight):
    ptw = jnp.concatenate([pred, target, weight], axis=1)
    cnt, s, tw = _sc_histogram_pass(ptw)
    out = pl.pallas_call(
        _epilogue_body,
        out_shape=jax.ShapeDtypeStruct((1, 1), jnp.float32),
        out_specs=pl.BlockSpec(memory_space=pltpu.SMEM),
    )(cnt, s, tw)
    return out[0, 0]

# --- scband reference (transcript-rebuilt; emitter-appended) ---
"""Pipeline reference for scband-ghmr-10273561772277 (READ-ONLY COPY).

The authoritative reference and input builder live on the scoring server;
editing this copy changes nothing except your own understanding.
"""

import jax, jax.numpy as jnp
import numpy as np

MU = 0.02
BINS = 10
LOSS_WEIGHT = 1.0


def setup_inputs(seed: int = 0) -> dict:
    key = jax.random.key(seed)
    k1, k2, k3 = jax.random.split(key, 3)
    N = 500000
    pred = jax.random.normal(k1, (N, 4), dtype=jnp.float32)
    target = jax.random.normal(k2, (N, 4), dtype=jnp.float32)
    weight = jax.random.uniform(k3, (N, 4), dtype=jnp.float32)
    return {"pred": pred, "target": target, "weight": weight}


def _ghmr(pred, target, weight):
    mu = MU
    bins = BINS
    edges = jnp.arange(bins + 1, dtype=jnp.float32) / bins
    edges = edges.at[-1].set(1000.0)
    diff = pred - target
    loss = jnp.sqrt(diff * diff + mu * mu) - mu
    g = jax.lax.stop_gradient(jnp.abs(diff / jnp.sqrt(mu * mu + diff * diff)))
    valid = weight > 0
    tot = jax.lax.stop_gradient(jnp.maximum(jnp.sum(weight.astype(jnp.float32)), 1.0))
    g_flat = g.ravel()
    valid_flat = valid.ravel()
    # bin index per element: largest i with edges[i] <= g < edges[i+1]
    bin_idx = jnp.clip(jnp.searchsorted(edges, g_flat, side='right') - 1, 0, bins - 1)
    num_in_bin = jnp.bincount(bin_idx, weights=valid_flat.astype(jnp.float32), length=bins)
    n = jnp.sum(num_in_bin > 0)
    w_per_bin = jnp.where(num_in_bin > 0, tot / jnp.maximum(num_in_bin, 1.0), 0.0)
    ghm_weights = (w_per_bin[bin_idx] * valid_flat.astype(jnp.float32)).reshape(g.shape)
    ghm_weights = jnp.where(n > 0, ghm_weights / jnp.maximum(n, 1).astype(jnp.float32), ghm_weights)
    ghm_weights = jax.lax.stop_gradient(ghm_weights)
    loss = loss * ghm_weights
    # weight_reduce_loss with reduction='mean', avg_factor=None
    loss = loss * weight
    loss = jnp.mean(loss)
    return loss * LOSS_WEIGHT


def reference(pred, target, weight):
    return _ghmr(pred, target, weight)

if __name__ == "__main__":
    import jax
    _d = setup_inputs()
    print(jax.jit(kernel)(*tuple(_d.values())))

</pallas_src>

<mosaic_0001>
#map = affine_map<(d0, d1) -> (0, 0)>
module attributes {stable_mosaic.version = 14 : i64} {
  func.func @k(%arg0: i32, %arg1: i32, %arg2: memref<500000x12xf32, #tpu.memory_space<hbm>>, %arg3: memref<32x160xf32, #tpu.memory_space<hbm>>, %arg4: memref<32x160xf32, #tpu.memory_space<hbm>>, %arg5: memref<32x16xf32, #tpu.memory_space<hbm>>, %arg6: memref<800x12xf32, #tpu.memory_space<vmem>>, %arg7: memref<160xf32, #tpu.memory_space<vmem>>, %arg8: memref<160xf32, #tpu.memory_space<vmem>>, %arg9: memref<16xf32, #tpu.memory_space<vmem>>, %arg10: memref<!tpu.dma_semaphore, #tpu.memory_space<semaphore_mem>>, %arg11: memref<!tpu.dma_semaphore, #tpu.memory_space<semaphore_mem>>) attributes {dimension_semantics = [#tpu.dimension_semantics<core_parallel>, #tpu.dimension_semantics<subcore_parallel>], iteration_bounds = array<i64: 2, 16>, scalar_prefetch = 0 : i64, scratch_operands = 6 : i64, tpu.core_type = #tpu.core_type<sc_vector_subcore>, window_params = [{transform_indices = #map}, {transform_indices = #map}, {transform_indices = #map}, {transform_indices = #map}]} {
    %mul3A = arith.constant 2 : i32
    %mul3A_0 = arith.muli %arg1, %mul3A : i32
    %add3A = arith.addi %mul3A_0, %arg0 : i32
    %broadcast_in_dim3A = arith.constant 0.000000e+00 : f32
    %broadcast_in_dim3A_1 = vector.broadcast %broadcast_in_dim3A : f32 to vector<16xf32>
    %swap3A = arith.constant 0 : index
    %swap3A_2 = tpu.vector_load %arg7[%swap3A] {strides = array<i32>} : memref<160xf32, #tpu.memory_space<vmem>>, vector<16xf32>,
    tpu.vector_store %arg7[%swap3A], %broadcast_in_dim3A_1 {strides = array<i32>} : memref<160xf32, #tpu.memory_space<vmem>>, vector<16xf32>,
    %swap3A_3 = arith.constant 0 : index
    %swap3A_4 = tpu.vector_load %arg8[%swap3A_3] {strides = array<i32>} : memref<160xf32, #tpu.memory_space<vmem>>, vector<16xf32>,
    tpu.vector_store %arg8[%swap3A_3], %broadcast_in_dim3A_1 {strides = array<i32>} : memref<160xf32, #tpu.memory_space<vmem>>, vector<16xf32>,
    %swap3A_5 = arith.constant 16 : index
    %swap3A_6 = tpu.vector_load %arg7[%swap3A_5] {strides = array<i32>} : memref<160xf32, #tpu.memory_space<vmem>>, vector<16xf32>,
    tpu.vector_store %arg7[%swap3A_5], %broadcast_in_dim3A_1 {strides = array<i32>} : memref<160xf32, #tpu.memory_space<vmem>>, vector<16xf32>,
    %swap3A_7 = arith.constant 16 : index
    %swap3A_8 = tpu.vector_load %arg8[%swap3A_7] {strides = array<i32>} : memref<160xf32, #tpu.memory_space<vmem>>, vector<16xf32>,
    tpu.vector_store %arg8[%swap3A_7], %broadcast_in_dim3A_1 {strides = array<i32>} : memref<160xf32, #tpu.memory_space<vmem>>, vector<16xf32>,
    %swap3A_9 = arith.constant 32 : index
    %swap3A_10 = tpu.vector_load %arg7[%swap3A_9] {strides = array<i32>} : memref<160xf32, #tpu.memory_space<vmem>>, vector<16xf32>,
    tpu.vector_store %arg7[%swap3A_9], %broadcast_in_dim3A_1 {strides = array<i32>} : memref<160xf32, #tpu.memory_space<vmem>>, vector<16xf32>,
    %swap3A_11 = arith.constant 32 : index
    %swap3A_12 = tpu.vector_load %arg8[%swap3A_11] {strides = array<i32>} : memref<160xf32, #tpu.memory_space<vmem>>, vector<16xf32>,
    tpu.vector_store %arg8[%swap3A_11], %broadcast_in_dim3A_1 {strides = array<i32>} : memref<160xf32, #tpu.memory_space<vmem>>, vector<16xf32>,
    %swap3A_13 = arith.constant 48 : index
    %swap3A_14 = tpu.vector_load %arg7[%swap3A_13] {strides = array<i32>} : memref<160xf32, #tpu.memory_space<vmem>>, vector<16xf32>,
    tpu.vector_store %arg7[%swap3A_13], %broadcast_in_dim3A_1 {strides = array<i32>} : memref<160xf32, #tpu.memory_space<vmem>>, vector<16xf32>,
    %swap3A_15 = arith.constant 48 : index
    %swap3A_16 = tpu.vector_load %arg8[%swap3A_15] {strides = array<i32>} : memref<160xf32, #tpu.memory_space<vmem>>, vector<16xf32>,
    tpu.vector_store %arg8[%swap3A_15], %broadcast_in_dim3A_1 {strides = array<i32>} : memref<160xf32, #tpu.memory_space<vmem>>, vector<16xf32>,
    %swap3A_17 = arith.constant 64 : index
    %swap3A_18 = tpu.vector_load %arg7[%swap3A_17] {strides = array<i32>} : memref<160xf32, #tpu.memory_space<vmem>>, vector<16xf32>,
    tpu.vector_store %arg7[%swap3A_17], %broadcast_in_dim3A_1 {strides = array<i32>} : memref<160xf32, #tpu.memory_space<vmem>>, vector<16xf32>,
    %swap3A_19 = arith.constant 64 : index
    %swap3A_20 = tpu.vector_load %arg8[%swap3A_19] {strides = array<i32>} : memref<160xf32, #tpu.memory_space<vmem>>, vector<16xf32>,
    tpu.vector_store %arg8[%swap3A_19], %broadcast_in_dim3A_1 {strides = array<i32>} : memref<160xf32, #tpu.memory_space<vmem>>, vector<16xf32>,
    %swap3A_21 = arith.constant 80 : index
    %swap3A_22 = tpu.vector_load %arg7[%swap3A_21] {strides = array<i32>} : memref<160xf32, #tpu.memory_space<vmem>>, vector<16xf32>,
    tpu.vector_store %arg7[%swap3A_21], %broadcast_in_dim3A_1 {strides = array<i32>} : memref<160xf32, #tpu.memory_space<vmem>>, vector<16xf32>,
    %swap3A_23 = arith.constant 80 : index
    %swap3A_24 = tpu.vector_load %arg8[%swap3A_23] {strides = array<i32>} : memref<160xf32, #tpu.memory_space<vmem>>, vector<16xf32>,
    tpu.vector_store %arg8[%swap3A_23], %broadcast_in_dim3A_1 {strides = array<i32>} : memref<160xf32, #tpu.memory_space<vmem>>, vector<16xf32>,
    %swap3A_25 = arith.constant 96 : index
    %swap3A_26 = tpu.vector_load %arg7[%swap3A_25] {strides = array<i32>} : memref<160xf32, #tpu.memory_space<vmem>>, vector<16xf32>,
    tpu.vector_store %arg7[%swap3A_25], %broadcast_in_dim3A_1 {strides = array<i32>} : memref<160xf32, #tpu.memory_space<vmem>>, vector<16xf32>,
    %swap3A_27 = arith.constant 96 : index
    %swap3A_28 = tpu.vector_load %arg8[%swap3A_27] {strides = array<i32>} : memref<160xf32, #tpu.memory_space<vmem>>, vector<16xf32>,
    tpu.vector_store %arg8[%swap3A_27], %broadcast_in_dim3A_1 {strides = array<i32>} : memref<160xf32, #tpu.memory_space<vmem>>, vector<16xf32>,
    %swap3A_29 = arith.constant 112 : index
    %swap3A_30 = tpu.vector_load %arg7[%swap3A_29] {strides = array<i32>} : memref<160xf32, #tpu.memory_space<vmem>>, vector<16xf32>,
    tpu.vector_store %arg7[%swap3A_29], %broadcast_in_dim3A_1 {strides = array<i32>} : memref<160xf32, #tpu.memory_space<vmem>>, vector<16xf32>,
    %swap3A_31 = arith.constant 112 : index
    %swap3A_32 = tpu.vector_load %arg8[%swap3A_31] {strides = array<i32>} : memref<160xf32, #tpu.memory_space<vmem>>, vector<16xf32>,
    tpu.vector_store %arg8[%swap3A_31], %broadcast_in_dim3A_1 {strides = array<i32>} : memref<160xf32, #tpu.memory_space<vmem>>, vector<16xf32>,
    %swap3A_33 = arith.constant 128 : index
    %swap3A_34 = tpu.vector_load %arg7[%swap3A_33] {strides = array<i32>} : memref<160xf32, #tpu.memory_space<vmem>>, vector<16xf32>,
    tpu.vector_store %arg7[%swap3A_33], %broadcast_in_dim3A_1 {strides = array<i32>} : memref<160xf32, #tpu.memory_space<vmem>>, vector<16xf32>,
    %swap3A_35 = arith.constant 128 : index
    %swap3A_36 = tpu.vector_load %arg8[%swap3A_35] {strides = array<i32>} : memref<160xf32, #tpu.memory_space<vmem>>, vector<16xf32>,
    tpu.vector_store %arg8[%swap3A_35], %broadcast_in_dim3A_1 {strides = array<i32>} : memref<160xf32, #tpu.memory_space<vmem>>, vector<16xf32>,
    %swap3A_37 = arith.constant 144 : index
    %swap3A_38 = tpu.vector_load %arg7[%swap3A_37] {strides = array<i32>} : memref<160xf32, #tpu.memory_space<vmem>>, vector<16xf32>,
    tpu.vector_store %arg7[%swap3A_37], %broadcast_in_dim3A_1 {strides = array<i32>} : memref<160xf32, #tpu.memory_space<vmem>>, vector<16xf32>,
    %swap3A_39 = arith.constant 144 : index
    %swap3A_40 = tpu.vector_load %arg8[%swap3A_39] {strides = array<i32>} : memref<160xf32, #tpu.memory_space<vmem>>, vector<16xf32>,
    tpu.vector_store %arg8[%swap3A_39], %broadcast_in_dim3A_1 {strides = array<i32>} : memref<160xf32, #tpu.memory_space<vmem>>, vector<16xf32>,
    %swap3A_41 = arith.constant 0 : index
    %swap3A_42 = tpu.vector_load %arg9[%swap3A_41] {strides = array<i32>} : memref<16xf32, #tpu.memory_space<vmem>>, vector<16xf32>,
    tpu.vector_store %arg9[%swap3A_41], %broadcast_in_dim3A_1 {strides = array<i32>} : memref<16xf32, #tpu.memory_space<vmem>>, vector<16xf32>,
    %iota3A = tpu.iota {dimensions = array<i32: 0>} : vector<16xi32>
    %shift_right_logical3A = arith.constant 2 : i32
    %shift_right_logical3A_43 = vector.broadcast %shift_right_logical3A : i32 to vector<16xi32>
    %shift_right_logical3A_44 = arith.shrui %iota3A, %shift_right_logical3A_43 : vector<16xi32>
    %and3A = arith.constant 3 : i32
    %and3A_45 = vector.broadcast %and3A : i32 to vector<16xi32>
    %and3A_46 = arith.andi %iota3A, %and3A_45 : vector<16xi32>
    %mul3A_47 = arith.constant 400 : i32
    %mul3A_48 = arith.muli %add3A, %mul3A_47 : i32
    %multiple_of3A = tpu.assume_multiple %mul3A_48, 8 : i32
    %dma_start3A = arith.constant 0 : i32
    %dma_start3A_49 = arith.constant 0 : i32
    %dma_start3A_50 = tpu.memref_slice %arg6[%dma_start3A, %dma_start3A_49] : memref<800x12xf32, #tpu.memory_space<vmem>> -> memref<400x12xf32, #tpu.memory_space<vmem>>
    %dma_start3A_51 = arith.constant 0 : i32
    %dma_start3A_52 = tpu.memref_slice %arg2[%multiple_of3A, %dma_start3A_51] : memref<500000x12xf32, #tpu.memory_space<hbm>> -> memref<400x12xf32, #tpu.memory_space<hbm>>
    %dma_start3A_53 = arith.constant 0 : i32
    %dma_start3A_54 = arith.constant 0 : i32
    %dma_start3A_55 = tpu.memref_slice %arg6[%dma_start3A_53, %dma_start3A_54] : memref<800x12xf32, #tpu.memory_space<vmem>> -> memref<400x12xf32, #tpu.memory_space<vmem>>
    %dma_start3A_56 = arith.constant 0 : i32
    %dma_start3A_57 = tpu.memref_slice %arg2[%multiple_of3A, %dma_start3A_56] : memref<500000x12xf32, #tpu.memory_space<hbm>> -> memref<400x12xf32, #tpu.memory_space<hbm>>
    tpu.enqueue_dma source(%dma_start3A_57 : memref<400x12xf32, #tpu.memory_space<hbm>>) target(%dma_start3A_55 : memref<400x12xf32, #tpu.memory_space<vmem>>) target_semaphore(%arg10 : memref<!tpu.dma_semaphore, #tpu.memory_space<semaphore_mem>>)
    %scan3A = arith.constant 0 : i32
    %scan3A_58 = arith.constant 4.000000e-04 : f32
    %scan3A_59 = arith.constant 2.000000e-02 : f32
    %scan3A_60 = arith.constant 0 : i32
    %scan3A_61 = arith.constant 20 : i32
    %scan3A_62 = arith.addi %scan3A_60, %scan3A_61 : i32
    %scan3A_63 = arith.constant 1 : i32
    scf.for %scan3A_65 = %scan3A_60 to %scan3A_62 step %scan3A_63  : i32 {
      %mul3A_66 = arith.constant 2 : i32
      %mul3A_67 = arith.muli %scan3A_65, %mul3A_66 : i32
      %mul3A_68 = arith.constant 32 : i32
      %mul3A_69 = arith.muli %mul3A_67, %mul3A_68 : i32
      %add3A_70 = arith.addi %add3A, %mul3A_69 : i32
      %add3A_71 = arith.constant 32 : i32
      %add3A_72 = arith.addi %add3A_70, %add3A_71 : i32
      %lt3A = arith.constant 1250 : i32
      %lt3A_73 = arith.cmpi slt, %add3A_72, %lt3A : i32
      %convert_element_type3A = arith.extui %lt3A_73 : i1 to i32
      %cond3A = arith.constant 0 : i32
      %cond3A_74 = arith.cmpi ne, %convert_element_type3A, %cond3A : i32
      scf.if %cond3A_74 {
        %mul3A_92 = arith.constant 400 : i32
        %mul3A_93 = arith.muli %add3A_72, %mul3A_92 : i32
        %multiple_of3A_94 = tpu.assume_multiple %mul3A_93, 8 : i32
        %dma_start3A_95 = arith.constant 400 : i32
        %dma_start3A_96 = arith.constant 0 : i32
        %dma_start3A_97 = tpu.memref_slice %arg6[%dma_start3A_95, %dma_start3A_96] : memref<800x12xf32, #tpu.memory_space<vmem>> -> memref<400x12xf32, #tpu.memory_space<vmem>>
        %dma_start3A_98 = arith.constant 0 : i32
        %dma_start3A_99 = tpu.memref_slice %arg2[%multiple_of3A_94, %dma_start3A_98] : memref<500000x12xf32, #tpu.memory_space<hbm>> -> memref<400x12xf32, #tpu.memory_space<hbm>>
        %dma_start3A_100 = arith.constant 400 : i32
        %dma_start3A_101 = arith.constant 0 : i32
        %dma_start3A_102 = tpu.memref_slice %arg6[%dma_start3A_100, %dma_start3A_101] : memref<800x12xf32, #tpu.memory_space<vmem>> -> memref<400x12xf32, #tpu.memory_space<vmem>>
        %dma_start3A_103 = arith.constant 0 : i32
        %dma_start3A_104 = tpu.memref_slice %arg2[%multiple_of3A_94, %dma_start3A_103] : memref<500000x12xf32, #tpu.memory_space<hbm>> -> memref<400x12xf32, #tpu.memory_space<hbm>>
        tpu.enqueue_dma source(%dma_start3A_104 : memref<400x12xf32, #tpu.memory_space<hbm>>) target(%dma_start3A_102 : memref<400x12xf32, #tpu.memory_space<vmem>>) target_semaphore(%arg11 : memref<!tpu.dma_semaphore, #tpu.memory_space<semaphore_mem>>)
      } else {
      }
      %lt3A_75 = arith.constant 1250 : i32
      %lt3A_76 = arith.cmpi slt, %add3A_70, %lt3A_75 : i32
      %convert_element_type3A_77 = arith.extui %lt3A_76 : i1 to i32
      %cond3A_78 = arith.constant 0 : i32
      %cond3A_79 = arith.cmpi ne, %convert_element_type3A_77, %cond3A_78 : i32
      scf.if %cond3A_79 {
        %mul3A_92 = arith.constant 400 : i32
        %mul3A_93 = arith.muli %add3A_70, %mul3A_92 : i32
        %multiple_of3A_94 = tpu.assume_multiple %mul3A_93, 8 : i32
        %dma_wait3A = arith.constant 0 : i32
        %dma_wait3A_95 = arith.constant 0 : i32
        %dma_wait3A_96 = tpu.memref_slice %arg6[%dma_wait3A, %dma_wait3A_95] : memref<800x12xf32, #tpu.memory_space<vmem>> -> memref<400x12xf32, #tpu.memory_space<vmem>>
        %dma_wait3A_97 = arith.constant 0 : i32
        %dma_wait3A_98 = tpu.memref_slice %arg2[%multiple_of3A_94, %dma_wait3A_97] : memref<500000x12xf32, #tpu.memory_space<hbm>> -> memref<400x12xf32, #tpu.memory_space<hbm>>
        %dma_wait3A_99 = arith.constant 0 : i32
        %dma_wait3A_100 = arith.constant 0 : i32
        %dma_wait3A_101 = tpu.memref_slice %arg6[%dma_wait3A_99, %dma_wait3A_100] : memref<800x12xf32, #tpu.memory_space<vmem>> -> memref<400x12xf32, #tpu.memory_space<vmem>>
        %dma_wait3A_102 = arith.constant 0 : i32
        %dma_wait3A_103 = tpu.memref_slice %arg2[%multiple_of3A_94, %dma_wait3A_102] : memref<500000x12xf32, #tpu.memory_space<hbm>> -> memref<400x12xf32, #tpu.memory_space<hbm>>
        tpu.wait_dma2 semaphore(%arg10 : memref<!tpu.dma_semaphore, #tpu.memory_space<semaphore_mem>>) src(%dma_wait3A_103 : memref<400x12xf32, #tpu.memory_space<hbm>>) dst(%dma_wait3A_101 : memref<400x12xf32, #tpu.memory_space<vmem>>)
        %scan3A_104 = arith.constant 0 : i32
        %scan3A_105 = arith.constant 0 : i32
        %scan3A_106 = arith.constant 100 : i32
        %scan3A_107 = arith.addi %scan3A_105, %scan3A_106 : i32
        %scan3A_108 = arith.constant 1 : i32
        scf.for %scan3A_110 = %scan3A_105 to %scan3A_107 step %scan3A_108  : i32 {
          %mul3A_111 = arith.constant 4 : i32
          %mul3A_112 = arith.muli %scan3A_110, %mul3A_111 : i32
          %add3A_113 = arith.constant 0 : i32
          %add3A_114 = arith.addi %add3A_113, %mul3A_112 : i32
          %add3A_115 = vector.broadcast %add3A_114 : i32 to vector<16xi32>
          %add3A_116 = arith.addi %add3A_115, %shift_right_logical3A_44 : vector<16xi32>
          %gather3A = tpu.vector_load_idx %arg6[%add3A_116, %and3A_46] : memref<800x12xf32, #tpu.memory_space<vmem>>[vector<16xi32>, vector<16xi32>], vector<16xf32>,
          %add3A_117 = arith.constant 4 : i32
          %add3A_118 = vector.broadcast %add3A_117 : i32 to vector<16xi32>
          %add3A_119 = arith.addi %and3A_46, %add3A_118 : vector<16xi32>
          %gather3A_120 = tpu.vector_load_idx %arg6[%add3A_116, %add3A_119] : memref<800x12xf32, #tpu.memory_space<vmem>>[vector<16xi32>, vector<16xi32>], vector<16xf32>,
          %add3A_121 = arith.constant 8 : i32
          %add3A_122 = vector.broadcast %add3A_121 : i32 to vector<16xi32>
          %add3A_123 = arith.addi %and3A_46, %add3A_122 : vector<16xi32>
          %gather3A_124 = tpu.vector_load_idx %arg6[%add3A_116, %add3A_123] : memref<800x12xf32, #tpu.memory_space<vmem>>[vector<16xi32>, vector<16xi32>], vector<16xf32>,
          %sub3A = arith.subf %gather3A, %gather3A_120 : vector<16xf32>
          %mul3A_125 = arith.mulf %sub3A, %sub3A : vector<16xf32>
          %add3A_126 = vector.broadcast %scan3A_58 : f32 to vector<16xf32>
          %add3A_127 = arith.addf %mul3A_125, %add3A_126 : vector<16xf32>
          %bitcast_convert_type3A = tpu.bitcast %add3A_127 : vector<16xf32> -> vector<16xi32>
          %shift_right_logical3A_128 = arith.constant 1 : i32
          %shift_right_logical3A_129 = vector.broadcast %shift_right_logical3A_128 : i32 to vector<16xi32>
          %shift_right_logical3A_130 = arith.shrui %bitcast_convert_type3A, %shift_right_logical3A_129 : vector<16xi32>
          %sub3A_131 = arith.constant 1597463007 : i32
          %sub3A_132 = vector.broadcast %sub3A_131 : i32 to vector<16xi32>
          %sub3A_133 = arith.subi %sub3A_132, %shift_right_logical3A_130 : vector<16xi32>
          %bitcast_convert_type3A_134 = tpu.bitcast %sub3A_133 : vector<16xi32> -> vector<16xf32>
          %mul3A_135 = arith.constant 5.000000e-01 : f32
          %mul3A_136 = vector.broadcast %mul3A_135 : f32 to vector<16xf32>
          %mul3A_137 = arith.mulf %mul3A_136, %add3A_127 : vector<16xf32>
          %mul3A_138 = arith.mulf %mul3A_137, %bitcast_convert_type3A_134 : vector<16xf32>
          %mul3A_139 = arith.mulf %mul3A_138, %bitcast_convert_type3A_134 : vector<16xf32>
          %sub3A_140 = arith.constant 1.500000e+00 : f32
          %sub3A_141 = vector.broadcast %sub3A_140 : f32 to vector<16xf32>
          %sub3A_142 = arith.subf %sub3A_141, %mul3A_139 : vector<16xf32>
          %mul3A_143 = arith.mulf %bitcast_convert_type3A_134, %sub3A_142 : vector<16xf32>
          %mul3A_144 = arith.mulf %mul3A_137, %mul3A_143 : vector<16xf32>
          %mul3A_145 = arith.mulf %mul3A_144, %mul3A_143 : vector<16xf32>
          %sub3A_146 = arith.constant 1.500000e+00 : f32
          %sub3A_147 = vector.broadcast %sub3A_146 : f32 to vector<16xf32>
          %sub3A_148 = arith.subf %sub3A_147, %mul3A_145 : vector<16xf32>
          %mul3A_149 = arith.mulf %mul3A_143, %sub3A_148 : vector<16xf32>
          %mul3A_150 = arith.mulf %add3A_127, %mul3A_149 : vector<16xf32>
          %sub3A_151 = vector.broadcast %scan3A_59 : f32 to vector<16xf32>
          %sub3A_152 = arith.subf %mul3A_150, %sub3A_151 : vector<16xf32>
          %abs3A = math.absf %sub3A : vector<16xf32>
          %mul3A_153 = arith.mulf %abs3A, %mul3A_149 : vector<16xf32>
          %gt3A = arith.constant 0.000000e+00 : f32
          %gt3A_154 = vector.broadcast %gt3A : f32 to vector<16xf32>
          %gt3A_155 = arith.cmpf ogt, %gather3A_124, %gt3A_154 : vector<16xf32>
          %jit3A = arith.constant 1.000000e+00 : f32
          %jit3A_156 = arith.constant 0.000000e+00 : f32
          %broadcast_in_dim3A_157 = vector.broadcast %jit3A : f32 to vector<16xf32>
          %broadcast_in_dim3A_158 = vector.broadcast %jit3A_156 : f32 to vector<16xf32>
          %select_n3A = arith.select %gt3A_155, %broadcast_in_dim3A_157, %broadcast_in_dim3A_158 : vector<16xi1>, vector<16xf32>
          %gt3A_159 = arith.constant 0.000000e+00 : f32
          %gt3A_160 = vector.broadcast %gt3A_159 : f32 to vector<16xf32>
          %gt3A_161 = arith.cmpf ogt, %gather3A_124, %gt3A_160 : vector<16xf32>
          %mul3A_162 = arith.mulf %sub3A_152, %gather3A_124 : vector<16xf32>
          %jit3A_163 = arith.constant 0.000000e+00 : f32
          %broadcast_in_dim3A_164 = vector.broadcast %jit3A_163 : f32 to vector<16xf32>
          %select_n3A_165 = arith.select %gt3A_161, %mul3A_162, %broadcast_in_dim3A_164 : vector<16xi1>, vector<16xf32>
          %mul3A_166 = arith.constant 1.000000e+01 : f32
          %mul3A_167 = vector.broadcast %mul3A_166 : f32 to vector<16xf32>
          %mul3A_168 = arith.mulf %mul3A_153, %mul3A_167 : vector<16xf32>
          %convert_element_type3A_169 = arith.fptosi %mul3A_168 : vector<16xf32> to vector<16xi32>
          %jit3A_170 = arith.constant 0 : i32
          %jit3A_171 = arith.constant 9 : i32
          %max3A = vector.broadcast %jit3A_170 : i32 to vector<16xi32>
          %max3A_172 = arith.maxsi %max3A, %convert_element_type3A_169 : vector<16xi32>
          %min3A = vector.broadcast %jit3A_171 : i32 to vector<16xi32>
          %min3A_173 = arith.minsi %min3A, %max3A_172 : vector<16xi32>
          %mul3A_174 = arith.constant 16 : i32
          %mul3A_175 = vector.broadcast %mul3A_174 : i32 to vector<16xi32>
          %mul3A_176 = arith.muli %min3A_173, %mul3A_175 : vector<16xi32>
          %add3A_177 = arith.addi %mul3A_176, %iota3A : vector<16xi32>
          tpu.vector_store_idx %arg7[%add3A_177], %select_n3A {add = true} : memref<160xf32, #tpu.memory_space<vmem>>[vector<16xi32>], vector<16xf32>,
          tpu.vector_store_idx %arg8[%add3A_177], %select_n3A_165 {add = true} : memref<160xf32, #tpu.memory_space<vmem>>[vector<16xi32>], vector<16xf32>,
          %swap3A_178 = arith.constant 0 : index
          %swap3A_179 = tpu.vector_load %arg9[%swap3A_178] {strides = array<i32>} : memref<16xf32, #tpu.memory_space<vmem>>, vector<16xf32>,
          tpu.vector_store %arg9[%swap3A_178], %gather3A_124 {add = true, strides = array<i32>} : memref<16xf32, #tpu.memory_space<vmem>>, vector<16xf32>,
        }
        %scan3A_109 = arith.constant 100 : i32
      } else {
      }
      %add3A_80 = arith.constant 64 : i32
      %add3A_81 = arith.addi %add3A_70, %add3A_80 : i32
      %lt3A_82 = arith.constant 1250 : i32
      %lt3A_83 = arith.cmpi slt, %add3A_81, %lt3A_82 : i32
      %convert_element_type3A_84 = arith.extui %lt3A_83 : i1 to i32
      %cond3A_85 = arith.constant 0 : i32
      %cond3A_86 = arith.cmpi ne, %convert_element_type3A_84, %cond3A_85 : i32
      scf.if %cond3A_86 {
        %add3A_92 = arith.constant 64 : i32
        %add3A_93 = arith.addi %add3A_70, %add3A_92 : i32
        %mul3A_94 = arith.constant 400 : i32
        %mul3A_95 = arith.muli %add3A_93, %mul3A_94 : i32
        %multiple_of3A_96 = tpu.assume_multiple %mul3A_95, 8 : i32
        %dma_start3A_97 = arith.constant 0 : i32
        %dma_start3A_98 = arith.constant 0 : i32
        %dma_start3A_99 = tpu.memref_slice %arg6[%dma_start3A_97, %dma_start3A_98] : memref<800x12xf32, #tpu.memory_space<vmem>> -> memref<400x12xf32, #tpu.memory_space<vmem>>
        %dma_start3A_100 = arith.constant 0 : i32
        %dma_start3A_101 = tpu.memref_slice %arg2[%multiple_of3A_96, %dma_start3A_100] : memref<500000x12xf32, #tpu.memory_space<hbm>> -> memref<400x12xf32, #tpu.memory_space<hbm>>
        %dma_start3A_102 = arith.constant 0 : i32
        %dma_start3A_103 = arith.constant 0 : i32
        %dma_start3A_104 = tpu.memref_slice %arg6[%dma_start3A_102, %dma_start3A_103] : memref<800x12xf32, #tpu.memory_space<vmem>> -> memref<400x12xf32, #tpu.memory_space<vmem>>
        %dma_start3A_105 = arith.constant 0 : i32
        %dma_start3A_106 = tpu.memref_slice %arg2[%multiple_of3A_96, %dma_start3A_105] : memref<500000x12xf32, #tpu.memory_space<hbm>> -> memref<400x12xf32, #tpu.memory_space<hbm>>
        tpu.enqueue_dma source(%dma_start3A_106 : memref<400x12xf32, #tpu.memory_space<hbm>>) target(%dma_start3A_104 : memref<400x12xf32, #tpu.memory_space<vmem>>) target_semaphore(%arg10 : memref<!tpu.dma_semaphore, #tpu.memory_space<semaphore_mem>>)
      } else {
      }
      %lt3A_87 = arith.constant 1250 : i32
      %lt3A_88 = arith.cmpi slt, %add3A_72, %lt3A_87 : i32
      %convert_element_type3A_89 = arith.extui %lt3A_88 : i1 to i32
      %cond3A_90 = arith.constant 0 : i32
      %cond3A_91 = arith.cmpi ne, %convert_element_type3A_89, %cond3A_90 : i32
      scf.if %cond3A_91 {
        %mul3A_92 = arith.constant 400 : i32
        %mul3A_93 = arith.muli %add3A_72, %mul3A_92 : i32
        %multiple_of3A_94 = tpu.assume_multiple %mul3A_93, 8 : i32
        %dma_wait3A = arith.constant 400 : i32
        %dma_wait3A_95 = arith.constant 0 : i32
        %dma_wait3A_96 = tpu.memref_slice %arg6[%dma_wait3A, %dma_wait3A_95] : memref<800x12xf32, #tpu.memory_space<vmem>> -> memref<400x12xf32, #tpu.memory_space<vmem>>
        %dma_wait3A_97 = arith.constant 0 : i32
        %dma_wait3A_98 = tpu.memref_slice %arg2[%multiple_of3A_94, %dma_wait3A_97] : memref<500000x12xf32, #tpu.memory_space<hbm>> -> memref<400x12xf32, #tpu.memory_space<hbm>>
        %dma_wait3A_99 = arith.constant 400 : i32
        %dma_wait3A_100 = arith.constant 0 : i32
        %dma_wait3A_101 = tpu.memref_slice %arg6[%dma_wait3A_99, %dma_wait3A_100] : memref<800x12xf32, #tpu.memory_space<vmem>> -> memref<400x12xf32, #tpu.memory_space<vmem>>
        %dma_wait3A_102 = arith.constant 0 : i32
        %dma_wait3A_103 = tpu.memref_slice %arg2[%multiple_of3A_94, %dma_wait3A_102] : memref<500000x12xf32, #tpu.memory_space<hbm>> -> memref<400x12xf32, #tpu.memory_space<hbm>>
        tpu.wait_dma2 semaphore(%arg11 : memref<!tpu.dma_semaphore, #tpu.memory_space<semaphore_mem>>) src(%dma_wait3A_103 : memref<400x12xf32, #tpu.memory_space<hbm>>) dst(%dma_wait3A_101 : memref<400x12xf32, #tpu.memory_space<vmem>>)
        %scan3A_104 = arith.constant 0 : i32
        %scan3A_105 = arith.constant 0 : i32
        %scan3A_106 = arith.constant 100 : i32
        %scan3A_107 = arith.addi %scan3A_105, %scan3A_106 : i32
        %scan3A_108 = arith.constant 1 : i32
        scf.for %scan3A_110 = %scan3A_105 to %scan3A_107 step %scan3A_108  : i32 {
          %mul3A_111 = arith.constant 4 : i32
          %mul3A_112 = arith.muli %scan3A_110, %mul3A_111 : i32
          %add3A_113 = arith.constant 400 : i32
          %add3A_114 = arith.addi %add3A_113, %mul3A_112 : i32
          %add3A_115 = vector.broadcast %add3A_114 : i32 to vector<16xi32>
          %add3A_116 = arith.addi %add3A_115, %shift_right_logical3A_44 : vector<16xi32>
          %gather3A = tpu.vector_load_idx %arg6[%add3A_116, %and3A_46] : memref<800x12xf32, #tpu.memory_space<vmem>>[vector<16xi32>, vector<16xi32>], vector<16xf32>,
          %add3A_117 = arith.constant 4 : i32
          %add3A_118 = vector.broadcast %add3A_117 : i32 to vector<16xi32>
          %add3A_119 = arith.addi %and3A_46, %add3A_118 : vector<16xi32>
          %gather3A_120 = tpu.vector_load_idx %arg6[%add3A_116, %add3A_119] : memref<800x12xf32, #tpu.memory_space<vmem>>[vector<16xi32>, vector<16xi32>], vector<16xf32>,
          %add3A_121 = arith.constant 8 : i32
          %add3A_122 = vector.broadcast %add3A_121 : i32 to vector<16xi32>
          %add3A_123 = arith.addi %and3A_46, %add3A_122 : vector<16xi32>
          %gather3A_124 = tpu.vector_load_idx %arg6[%add3A_116, %add3A_123] : memref<800x12xf32, #tpu.memory_space<vmem>>[vector<16xi32>, vector<16xi32>], vector<16xf32>,
          %sub3A = arith.subf %gather3A, %gather3A_120 : vector<16xf32>
          %mul3A_125 = arith.mulf %sub3A, %sub3A : vector<16xf32>
          %add3A_126 = vector.broadcast %scan3A_58 : f32 to vector<16xf32>
          %add3A_127 = arith.addf %mul3A_125, %add3A_126 : vector<16xf32>
          %bitcast_convert_type3A = tpu.bitcast %add3A_127 : vector<16xf32> -> vector<16xi32>
          %shift_right_logical3A_128 = arith.constant 1 : i32
          %shift_right_logical3A_129 = vector.broadcast %shift_right_logical3A_128 : i32 to vector<16xi32>
          %shift_right_logical3A_130 = arith.shrui %bitcast_convert_type3A, %shift_right_logical3A_129 : vector<16xi32>
          %sub3A_131 = arith.constant 1597463007 : i32
          %sub3A_132 = vector.broadcast %sub3A_131 : i32 to vector<16xi32>
          %sub3A_133 = arith.subi %sub3A_132, %shift_right_logical3A_130 : vector<16xi32>
          %bitcast_convert_type3A_134 = tpu.bitcast %sub3A_133 : vector<16xi32> -> vector<16xf32>
          %mul3A_135 = arith.constant 5.000000e-01 : f32
          %mul3A_136 = vector.broadcast %mul3A_135 : f32 to vector<16xf32>
          %mul3A_137 = arith.mulf %mul3A_136, %add3A_127 : vector<16xf32>
          %mul3A_138 = arith.mulf %mul3A_137, %bitcast_convert_type3A_134 : vector<16xf32>
          %mul3A_139 = arith.mulf %mul3A_138, %bitcast_convert_type3A_134 : vector<16xf32>
          %sub3A_140 = arith.constant 1.500000e+00 : f32
          %sub3A_141 = vector.broadcast %sub3A_140 : f32 to vector<16xf32>
          %sub3A_142 = arith.subf %sub3A_141, %mul3A_139 : vector<16xf32>
          %mul3A_143 = arith.mulf %bitcast_convert_type3A_134, %sub3A_142 : vector<16xf32>
          %mul3A_144 = arith.mulf %mul3A_137, %mul3A_143 : vector<16xf32>
          %mul3A_145 = arith.mulf %mul3A_144, %mul3A_143 : vector<16xf32>
          %sub3A_146 = arith.constant 1.500000e+00 : f32
          %sub3A_147 = vector.broadcast %sub3A_146 : f32 to vector<16xf32>
          %sub3A_148 = arith.subf %sub3A_147, %mul3A_145 : vector<16xf32>
          %mul3A_149 = arith.mulf %mul3A_143, %sub3A_148 : vector<16xf32>
          %mul3A_150 = arith.mulf %add3A_127, %mul3A_149 : vector<16xf32>
          %sub3A_151 = vector.broadcast %scan3A_59 : f32 to vector<16xf32>
          %sub3A_152 = arith.subf %mul3A_150, %sub3A_151 : vector<16xf32>
          %abs3A = math.absf %sub3A : vector<16xf32>
          %mul3A_153 = arith.mulf %abs3A, %mul3A_149 : vector<16xf32>
          %gt3A = arith.constant 0.000000e+00 : f32
          %gt3A_154 = vector.broadcast %gt3A : f32 to vector<16xf32>
          %gt3A_155 = arith.cmpf ogt, %gather3A_124, %gt3A_154 : vector<16xf32>
          %jit3A = arith.constant 1.000000e+00 : f32
          %jit3A_156 = arith.constant 0.000000e+00 : f32
          %broadcast_in_dim3A_157 = vector.broadcast %jit3A : f32 to vector<16xf32>
          %broadcast_in_dim3A_158 = vector.broadcast %jit3A_156 : f32 to vector<16xf32>
          %select_n3A = arith.select %gt3A_155, %broadcast_in_dim3A_157, %broadcast_in_dim3A_158 : vector<16xi1>, vector<16xf32>
          %gt3A_159 = arith.constant 0.000000e+00 : f32
          %gt3A_160 = vector.broadcast %gt3A_159 : f32 to vector<16xf32>
          %gt3A_161 = arith.cmpf ogt, %gather3A_124, %gt3A_160 : vector<16xf32>
          %mul3A_162 = arith.mulf %sub3A_152, %gather3A_124 : vector<16xf32>
          %jit3A_163 = arith.constant 0.000000e+00 : f32
          %broadcast_in_dim3A_164 = vector.broadcast %jit3A_163 : f32 to vector<16xf32>
          %select_n3A_165 = arith.select %gt3A_161, %mul3A_162, %broadcast_in_dim3A_164 : vector<16xi1>, vector<16xf32>
          %mul3A_166 = arith.constant 1.000000e+01 : f32
          %mul3A_167 = vector.broadcast %mul3A_166 : f32 to vector<16xf32>
          %mul3A_168 = arith.mulf %mul3A_153, %mul3A_167 : vector<16xf32>
          %convert_element_type3A_169 = arith.fptosi %mul3A_168 : vector<16xf32> to vector<16xi32>
          %jit3A_170 = arith.constant 0 : i32
          %jit3A_171 = arith.constant 9 : i32
          %max3A = vector.broadcast %jit3A_170 : i32 to vector<16xi32>
          %max3A_172 = arith.maxsi %max3A, %convert_element_type3A_169 : vector<16xi32>
          %min3A = vector.broadcast %jit3A_171 : i32 to vector<16xi32>
          %min3A_173 = arith.minsi %min3A, %max3A_172 : vector<16xi32>
          %mul3A_174 = arith.constant 16 : i32
          %mul3A_175 = vector.broadcast %mul3A_174 : i32 to vector<16xi32>
          %mul3A_176 = arith.muli %min3A_173, %mul3A_175 : vector<16xi32>
          %add3A_177 = arith.addi %mul3A_176, %iota3A : vector<16xi32>
          tpu.vector_store_idx %arg7[%add3A_177], %select_n3A {add = true} : memref<160xf32, #tpu.memory_space<vmem>>[vector<16xi32>], vector<16xf32>,
          tpu.vector_store_idx %arg8[%add3A_177], %select_n3A_165 {add = true} : memref<160xf32, #tpu.memory_space<vmem>>[vector<16xi32>], vector<16xf32>,
          %swap3A_178 = arith.constant 0 : index
          %swap3A_179 = tpu.vector_load %arg9[%swap3A_178] {strides = array<i32>} : memref<16xf32, #tpu.memory_space<vmem>>, vector<16xf32>,
          tpu.vector_store %arg9[%swap3A_178], %gather3A_124 {add = true, strides = array<i32>} : memref<16xf32, #tpu.memory_space<vmem>>, vector<16xf32>,
        }
        %scan3A_109 = arith.constant 100 : i32
      } else {
      }
    }
    %scan3A_64 = arith.constant 20 : i32
    "tpu.region"() ({
      %run_scoped3A = tpu.sem_alloc : memref<!tpu.dma_semaphore, #tpu.memory_space<semaphore_mem>>
      %dma_start3A_65 = arith.constant 0 : i32
      %dma_start3A_66 = tpu.memref_slice %arg3[%add3A, %dma_start3A_65] : memref<32x160xf32, #tpu.memory_space<hbm>> -> memref<1x160xf32, #tpu.memory_space<hbm>>
      %dma_start3A_67 = tpu.memref_squeeze %dma_start3A_66 : memref<1x160xf32, #tpu.memory_space<hbm>> -> memref<160xf32, #tpu.memory_space<hbm>>
      %dma_start3A_68 = arith.constant 0 : i32
      %dma_start3A_69 = tpu.memref_slice %arg3[%add3A, %dma_start3A_68] : memref<32x160xf32, #tpu.memory_space<hbm>> -> memref<1x160xf32, #tpu.memory_space<hbm>>
      %dma_start3A_70 = tpu.memref_squeeze %dma_start3A_69 : memref<1x160xf32, #tpu.memory_space<hbm>> -> memref<160xf32, #tpu.memory_space<hbm>>
      tpu.enqueue_dma source(%arg7 : memref<160xf32, #tpu.memory_space<vmem>>) target(%dma_start3A_70 : memref<160xf32, #tpu.memory_space<hbm>>) target_semaphore(%run_scoped3A : memref<!tpu.dma_semaphore, #tpu.memory_space<semaphore_mem>>)
      %dma_wait3A = arith.constant 0 : i32
      %dma_wait3A_71 = tpu.memref_slice %arg3[%add3A, %dma_wait3A] : memref<32x160xf32, #tpu.memory_space<hbm>> -> memref<1x160xf32, #tpu.memory_space<hbm>>
      %dma_wait3A_72 = tpu.memref_squeeze %dma_wait3A_71 : memref<1x160xf32, #tpu.memory_space<hbm>> -> memref<160xf32, #tpu.memory_space<hbm>>
      %dma_wait3A_73 = arith.constant 0 : i32
      %dma_wait3A_74 = tpu.memref_slice %arg3[%add3A, %dma_wait3A_73] : memref<32x160xf32, #tpu.memory_space<hbm>> -> memref<1x160xf32, #tpu.memory_space<hbm>>
      %dma_wait3A_75 = tpu.memref_squeeze %dma_wait3A_74 : memref<1x160xf32, #tpu.memory_space<hbm>> -> memref<160xf32, #tpu.memory_space<hbm>>
      tpu.wait_dma2 semaphore(%run_scoped3A : memref<!tpu.dma_semaphore, #tpu.memory_space<semaphore_mem>>) src(%arg7 : memref<160xf32, #tpu.memory_space<vmem>>) dst(%dma_wait3A_75 : memref<160xf32, #tpu.memory_space<hbm>>)
      tpu.yield
    }) : () -> ()
    "tpu.region"() ({
      %run_scoped3A = tpu.sem_alloc : memref<!tpu.dma_semaphore, #tpu.memory_space<semaphore_mem>>
      %dma_start3A_65 = arith.constant 0 : i32
      %dma_start3A_66 = tpu.memref_slice %arg4[%add3A, %dma_start3A_65] : memref<32x160xf32, #tpu.memory_space<hbm>> -> memref<1x160xf32, #tpu.memory_space<hbm>>
      %dma_start3A_67 = tpu.memref_squeeze %dma_start3A_66 : memref<1x160xf32, #tpu.memory_space<hbm>> -> memref<160xf32, #tpu.memory_space<hbm>>
      %dma_start3A_68 = arith.constant 0 : i32
      %dma_start3A_69 = tpu.memref_slice %arg4[%add3A, %dma_start3A_68] : memref<32x160xf32, #tpu.memory_space<hbm>> -> memref<1x160xf32, #tpu.memory_space<hbm>>
      %dma_start3A_70 = tpu.memref_squeeze %dma_start3A_69 : memref<1x160xf32, #tpu.memory_space<hbm>> -> memref<160xf32, #tpu.memory_space<hbm>>
      tpu.enqueue_dma source(%arg8 : memref<160xf32, #tpu.memory_space<vmem>>) target(%dma_start3A_70 : memref<160xf32, #tpu.memory_space<hbm>>) target_semaphore(%run_scoped3A : memref<!tpu.dma_semaphore, #tpu.memory_space<semaphore_mem>>)
      %dma_wait3A = arith.constant 0 : i32
      %dma_wait3A_71 = tpu.memref_slice %arg4[%add3A, %dma_wait3A] : memref<32x160xf32, #tpu.memory_space<hbm>> -> memref<1x160xf32, #tpu.memory_space<hbm>>
      %dma_wait3A_72 = tpu.memref_squeeze %dma_wait3A_71 : memref<1x160xf32, #tpu.memory_space<hbm>> -> memref<160xf32, #tpu.memory_space<hbm>>
      %dma_wait3A_73 = arith.constant 0 : i32
      %dma_wait3A_74 = tpu.memref_slice %arg4[%add3A, %dma_wait3A_73] : memref<32x160xf32, #tpu.memory_space<hbm>> -> memref<1x160xf32, #tpu.memory_space<hbm>>
      %dma_wait3A_75 = tpu.memref_squeeze %dma_wait3A_74 : memref<1x160xf32, #tpu.memory_space<hbm>> -> memref<160xf32, #tpu.memory_space<hbm>>
      tpu.wait_dma2 semaphore(%run_scoped3A : memref<!tpu.dma_semaphore, #tpu.memory_space<semaphore_mem>>) src(%arg8 : memref<160xf32, #tpu.memory_space<vmem>>) dst(%dma_wait3A_75 : memref<160xf32, #tpu.memory_space<hbm>>)
      tpu.yield
    }) : () -> ()
    "tpu.region"() ({
      %run_scoped3A = tpu.sem_alloc : memref<!tpu.dma_semaphore, #tpu.memory_space<semaphore_mem>>
      %dma_start3A_65 = arith.constant 0 : i32
      %dma_start3A_66 = tpu.memref_slice %arg5[%add3A, %dma_start3A_65] : memref<32x16xf32, #tpu.memory_space<hbm>> -> memref<1x16xf32, #tpu.memory_space<hbm>>
      %dma_start3A_67 = tpu.memref_squeeze %dma_start3A_66 : memref<1x16xf32, #tpu.memory_space<hbm>> -> memref<16xf32, #tpu.memory_space<hbm>>
      %dma_start3A_68 = arith.constant 0 : i32
      %dma_start3A_69 = tpu.memref_slice %arg5[%add3A, %dma_start3A_68] : memref<32x16xf32, #tpu.memory_space<hbm>> -> memref<1x16xf32, #tpu.memory_space<hbm>>
      %dma_start3A_70 = tpu.memref_squeeze %dma_start3A_69 : memref<1x16xf32, #tpu.memory_space<hbm>> -> memref<16xf32, #tpu.memory_space<hbm>>
      tpu.enqueue_dma source(%arg9 : memref<16xf32, #tpu.memory_space<vmem>>) target(%dma_start3A_70 : memref<16xf32, #tpu.memory_space<hbm>>) target_semaphore(%run_scoped3A : memref<!tpu.dma_semaphore, #tpu.memory_space<semaphore_mem>>)
      %dma_wait3A = arith.constant 0 : i32
      %dma_wait3A_71 = tpu.memref_slice %arg5[%add3A, %dma_wait3A] : memref<32x16xf32, #tpu.memory_space<hbm>> -> memref<1x16xf32, #tpu.memory_space<hbm>>
      %dma_wait3A_72 = tpu.memref_squeeze %dma_wait3A_71 : memref<1x16xf32, #tpu.memory_space<hbm>> -> memref<16xf32, #tpu.memory_space<hbm>>
      %dma_wait3A_73 = arith.constant 0 : i32
      %dma_wait3A_74 = tpu.memref_slice %arg5[%add3A, %dma_wait3A_73] : memref<32x16xf32, #tpu.memory_space<hbm>> -> memref<1x16xf32, #tpu.memory_space<hbm>>
      %dma_wait3A_75 = tpu.memref_squeeze %dma_wait3A_74 : memref<1x16xf32, #tpu.memory_space<hbm>> -> memref<16xf32, #tpu.memory_space<hbm>>
      tpu.wait_dma2 semaphore(%run_scoped3A : memref<!tpu.dma_semaphore, #tpu.memory_space<semaphore_mem>>) src(%arg9 : memref<16xf32, #tpu.memory_space<vmem>>) dst(%dma_wait3A_75 : memref<16xf32, #tpu.memory_space<hbm>>)
      tpu.yield
    }) : () -> ()
    return
  }
}

module attributes {stable_mosaic.version = 14 : i64} {
  func.func @_epilogue_body(%arg0: memref<32x160xf32, #tpu.memory_space<vmem>>, %arg1: memref<32x160xf32, #tpu.memory_space<vmem>>, %arg2: memref<32x16xf32, #tpu.memory_space<vmem>>, %arg3: memref<1x1xf32, #tpu.memory_space<smem>>) attributes {dimension_semantics = [], scalar_prefetch = 0 : i64, scratch_operands = 0 : i64, tpu.core_type = #tpu.core_type<tc>} {
    %get3A = arith.constant 0 : index
    %get3A_0 = arith.constant 0 : index
    %get3A_1 = vector.load %arg2[%get3A, %get3A_0] : memref<32x16xf32, #tpu.memory_space<vmem>>, vector<32x16xf32>
    %reduce_sum3A = vector.shape_cast %get3A_1 : vector<32x16xf32> to vector<1x32x16xf32>
    %reduce_sum3A_2 = arith.constant dense<0.000000e+00> : vector<1xf32>
    %reduce_sum3A_3 = vector.multi_reduction <add>, %reduce_sum3A, %reduce_sum3A_2 [1, 2] : vector<1x32x16xf32> to vector<1xf32>
    %reduce_sum3A_4 = vector.shape_cast %reduce_sum3A_3 : vector<1xf32> to vector<1x1x1xf32>
    %reduce_sum3A_5 = vector.extract %reduce_sum3A_4[0, 0, 0] : f32 from vector<1x1x1xf32>
    %max3A = arith.constant 1.000000e+00 : f32
    %max3A_6 = arith.maximumf %reduce_sum3A_5, %max3A : f32
    %get3A_7 = arith.constant 0 : index
    %get3A_8 = arith.constant 0 : index
    %get3A_9 = vector.load %arg0[%get3A_7, %get3A_8] : memref<32x160xf32, #tpu.memory_space<vmem>>, vector<32x16xf32>
    %reduce_sum3A_10 = vector.shape_cast %get3A_9 : vector<32x16xf32> to vector<1x32x16xf32>
    %reduce_sum3A_11 = arith.constant dense<0.000000e+00> : vector<1xf32>
    %reduce_sum3A_12 = vector.multi_reduction <add>, %reduce_sum3A_10, %reduce_sum3A_11 [1, 2] : vector<1x32x16xf32> to vector<1xf32>
    %reduce_sum3A_13 = vector.shape_cast %reduce_sum3A_12 : vector<1xf32> to vector<1x1x1xf32>
    %reduce_sum3A_14 = vector.extract %reduce_sum3A_13[0, 0, 0] : f32 from vector<1x1x1xf32>
    %get3A_15 = arith.constant 0 : index
    %get3A_16 = arith.constant 0 : index
    %get3A_17 = vector.load %arg1[%get3A_15, %get3A_16] : memref<32x160xf32, #tpu.memory_space<vmem>>, vector<32x16xf32>
    %reduce_sum3A_18 = vector.shape_cast %get3A_17 : vector<32x16xf32> to vector<1x32x16xf32>
    %reduce_sum3A_19 = arith.constant dense<0.000000e+00> : vector<1xf32>
    %reduce_sum3A_20 = vector.multi_reduction <add>, %reduce_sum3A_18, %reduce_sum3A_19 [1, 2] : vector<1x32x16xf32> to vector<1xf32>
    %reduce_sum3A_21 = vector.shape_cast %reduce_sum3A_20 : vector<1xf32> to vector<1x1x1xf32>
    %reduce_sum3A_22 = vector.extract %reduce_sum3A_21[0, 0, 0] : f32 from vector<1x1x1xf32>
    %gt3A = arith.constant 0.000000e+00 : f32
    %gt3A_23 = arith.cmpf ogt, %reduce_sum3A_14, %gt3A : f32
    %jit3A = arith.constant 1.000000e+00 : f32
    %jit3A_24 = arith.constant 0.000000e+00 : f32
    %select_n3A = arith.select %gt3A_23, %jit3A, %jit3A_24 : f32
    %add3A = arith.constant 0.000000e+00 : f32
    %add3A_25 = arith.addf %add3A, %select_n3A : f32
    %max3A_26 = arith.constant 1.000000e+00 : f32
    %max3A_27 = arith.maximumf %reduce_sum3A_14, %max3A_26 : f32
    %div3A = arith.divf %max3A_6, %max3A_27 : f32
    %mul3A = arith.mulf %div3A, %reduce_sum3A_22 : f32
    %jit3A_28 = arith.constant 0.000000e+00 : f32
    %select_n3A_29 = arith.select %gt3A_23, %mul3A, %jit3A_28 : f32
    %add3A_30 = arith.constant 0.000000e+00 : f32
    %add3A_31 = arith.addf %add3A_30, %select_n3A_29 : f32
    %get3A_32 = arith.constant 0 : index
    %get3A_33 = arith.constant 16 : index
    %get3A_34 = vector.load %arg0[%get3A_32, %get3A_33] : memref<32x160xf32, #tpu.memory_space<vmem>>, vector<32x16xf32>
    %reduce_sum3A_35 = vector.shape_cast %get3A_34 : vector<32x16xf32> to vector<1x32x16xf32>
    %reduce_sum3A_36 = arith.constant dense<0.000000e+00> : vector<1xf32>
    %reduce_sum3A_37 = vector.multi_reduction <add>, %reduce_sum3A_35, %reduce_sum3A_36 [1, 2] : vector<1x32x16xf32> to vector<1xf32>
    %reduce_sum3A_38 = vector.shape_cast %reduce_sum3A_37 : vector<1xf32> to vector<1x1x1xf32>
    %reduce_sum3A_39 = vector.extract %reduce_sum3A_38[0, 0, 0] : f32 from vector<1x1x1xf32>
    %get3A_40 = arith.constant 0 : index
    %get3A_41 = arith.constant 16 : index
    %get3A_42 = vector.load %arg1[%get3A_40, %get3A_41] : memref<32x160xf32, #tpu.memory_space<vmem>>, vector<32x16xf32>
    %reduce_sum3A_43 = vector.shape_cast %get3A_42 : vector<32x16xf32> to vector<1x32x16xf32>
    %reduce_sum3A_44 = arith.constant dense<0.000000e+00> : vector<1xf32>
    %reduce_sum3A_45 = vector.multi_reduction <add>, %reduce_sum3A_43, %reduce_sum3A_44 [1, 2] : vector<1x32x16xf32> to vector<1xf32>
    %reduce_sum3A_46 = vector.shape_cast %reduce_sum3A_45 : vector<1xf32> to vector<1x1x1xf32>
    %reduce_sum3A_47 = vector.extract %reduce_sum3A_46[0, 0, 0] : f32 from vector<1x1x1xf32>
    %gt3A_48 = arith.constant 0.000000e+00 : f32
    %gt3A_49 = arith.cmpf ogt, %reduce_sum3A_39, %gt3A_48 : f32
    %jit3A_50 = arith.constant 1.000000e+00 : f32
    %jit3A_51 = arith.constant 0.000000e+00 : f32
    %select_n3A_52 = arith.select %gt3A_49, %jit3A_50, %jit3A_51 : f32
    %add3A_53 = arith.addf %add3A_25, %select_n3A_52 : f32
    %max3A_54 = arith.constant 1.000000e+00 : f32
    %max3A_55 = arith.maximumf %reduce_sum3A_39, %max3A_54 : f32
    %div3A_56 = arith.divf %max3A_6, %max3A_55 : f32
    %mul3A_57 = arith.mulf %div3A_56, %reduce_sum3A_47 : f32
    %jit3A_58 = arith.constant 0.000000e+00 : f32
    %select_n3A_59 = arith.select %gt3A_49, %mul3A_57, %jit3A_58 : f32
    %add3A_60 = arith.addf %add3A_31, %select_n3A_59 : f32
    %get3A_61 = arith.constant 0 : index
    %get3A_62 = arith.constant 32 : index
    %get3A_63 = vector.load %arg0[%get3A_61, %get3A_62] : memref<32x160xf32, #tpu.memory_space<vmem>>, vector<32x16xf32>
    %reduce_sum3A_64 = vector.shape_cast %get3A_63 : vector<32x16xf32> to vector<1x32x16xf32>
    %reduce_sum3A_65 = arith.constant dense<0.000000e+00> : vector<1xf32>
    %reduce_sum3A_66 = vector.multi_reduction <add>, %reduce_sum3A_64, %reduce_sum3A_65 [1, 2] : vector<1x32x16xf32> to vector<1xf32>
    %reduce_sum3A_67 = vector.shape_cast %reduce_sum3A_66 : vector<1xf32> to vector<1x1x1xf32>
    %reduce_sum3A_68 = vector.extract %reduce_sum3A_67[0, 0, 0] : f32 from vector<1x1x1xf32>
    %get3A_69 = arith.constant 0 : index
    %get3A_70 = arith.constant 32 : index
    %get3A_71 = vector.load %arg1[%get3A_69, %get3A_70] : memref<32x160xf32, #tpu.memory_space<vmem>>, vector<32x16xf32>
    %reduce_sum3A_72 = vector.shape_cast %get3A_71 : vector<32x16xf32> to vector<1x32x16xf32>
    %reduce_sum3A_73 = arith.constant dense<0.000000e+00> : vector<1xf32>
    %reduce_sum3A_74 = vector.multi_reduction <add>, %reduce_sum3A_72, %reduce_sum3A_73 [1, 2] : vector<1x32x16xf32> to vector<1xf32>
    %reduce_sum3A_75 = vector.shape_cast %reduce_sum3A_74 : vector<1xf32> to vector<1x1x1xf32>
    %reduce_sum3A_76 = vector.extract %reduce_sum3A_75[0, 0, 0] : f32 from vector<1x1x1xf32>
    %gt3A_77 = arith.constant 0.000000e+00 : f32
    %gt3A_78 = arith.cmpf ogt, %reduce_sum3A_68, %gt3A_77 : f32
    %jit3A_79 = arith.constant 1.000000e+00 : f32
    %jit3A_80 = arith.constant 0.000000e+00 : f32
    %select_n3A_81 = arith.select %gt3A_78, %jit3A_79, %jit3A_80 : f32
    %add3A_82 = arith.addf %add3A_53, %select_n3A_81 : f32
    %max3A_83 = arith.constant 1.000000e+00 : f32
    %max3A_84 = arith.maximumf %reduce_sum3A_68, %max3A_83 : f32
    %div3A_85 = arith.divf %max3A_6, %max3A_84 : f32
    %mul3A_86 = arith.mulf %div3A_85, %reduce_sum3A_76 : f32
    %jit3A_87 = arith.constant 0.000000e+00 : f32
    %select_n3A_88 = arith.select %gt3A_78, %mul3A_86, %jit3A_87 : f32
    %add3A_89 = arith.addf %add3A_60, %select_n3A_88 : f32
    %get3A_90 = arith.constant 0 : index
    %get3A_91 = arith.constant 48 : index
    %get3A_92 = vector.load %arg0[%get3A_90, %get3A_91] : memref<32x160xf32, #tpu.memory_space<vmem>>, vector<32x16xf32>
    %reduce_sum3A_93 = vector.shape_cast %get3A_92 : vector<32x16xf32> to vector<1x32x16xf32>
    %reduce_sum3A_94 = arith.constant dense<0.000000e+00> : vector<1xf32>
    %reduce_sum3A_95 = vector.multi_reduction <add>, %reduce_sum3A_93, %reduce_sum3A_94 [1, 2] : vector<1x32x16xf32> to vector<1xf32>
    %reduce_sum3A_96 = vector.shape_cast %reduce_sum3A_95 : vector<1xf32> to vector<1x1x1xf32>
    %reduce_sum3A_97 = vector.extract %reduce_sum3A_96[0, 0, 0] : f32 from vector<1x1x1xf32>
    %get3A_98 = arith.constant 0 : index
    %get3A_99 = arith.constant 48 : index
    %get3A_100 = vector.load %arg1[%get3A_98, %get3A_99] : memref<32x160xf32, #tpu.memory_space<vmem>>, vector<32x16xf32>
    %reduce_sum3A_101 = vector.shape_cast %get3A_100 : vector<32x16xf32> to vector<1x32x16xf32>
    %reduce_sum3A_102 = arith.constant dense<0.000000e+00> : vector<1xf32>
    %reduce_sum3A_103 = vector.multi_reduction <add>, %reduce_sum3A_101, %reduce_sum3A_102 [1, 2] : vector<1x32x16xf32> to vector<1xf32>
    %reduce_sum3A_104 = vector.shape_cast %reduce_sum3A_103 : vector<1xf32> to vector<1x1x1xf32>
    %reduce_sum3A_105 = vector.extract %reduce_sum3A_104[0, 0, 0] : f32 from vector<1x1x1xf32>
    %gt3A_106 = arith.constant 0.000000e+00 : f32
    %gt3A_107 = arith.cmpf ogt, %reduce_sum3A_97, %gt3A_106 : f32
    %jit3A_108 = arith.constant 1.000000e+00 : f32
    %jit3A_109 = arith.constant 0.000000e+00 : f32
    %select_n3A_110 = arith.select %gt3A_107, %jit3A_108, %jit3A_109 : f32
    %add3A_111 = arith.addf %add3A_82, %select_n3A_110 : f32
    %max3A_112 = arith.constant 1.000000e+00 : f32
    %max3A_113 = arith.maximumf %reduce_sum3A_97, %max3A_112 : f32
    %div3A_114 = arith.divf %max3A_6, %max3A_113 : f32
    %mul3A_115 = arith.mulf %div3A_114, %reduce_sum3A_105 : f32
    %jit3A_116 = arith.constant 0.000000e+00 : f32
    %select_n3A_117 = arith.select %gt3A_107, %mul3A_115, %jit3A_116 : f32
    %add3A_118 = arith.addf %add3A_89, %select_n3A_117 : f32
    %get3A_119 = arith.constant 0 : index
    %get3A_120 = arith.constant 64 : index
    %get3A_121 = vector.load %arg0[%get3A_119, %get3A_120] : memref<32x160xf32, #tpu.memory_space<vmem>>, vector<32x16xf32>
    %reduce_sum3A_122 = vector.shape_cast %get3A_121 : vector<32x16xf32> to vector<1x32x16xf32>
    %reduce_sum3A_123 = arith.constant dense<0.000000e+00> : vector<1xf32>
    %reduce_sum3A_124 = vector.multi_reduction <add>, %reduce_sum3A_122, %reduce_sum3A_123 [1, 2] : vector<1x32x16xf32> to vector<1xf32>
    %reduce_sum3A_125 = vector.shape_cast %reduce_sum3A_124 : vector<1xf32> to vector<1x1x1xf32>
    %reduce_sum3A_126 = vector.extract %reduce_sum3A_125[0, 0, 0] : f32 from vector<1x1x1xf32>
    %get3A_127 = arith.constant 0 : index
    %get3A_128 = arith.constant 64 : index
    %get3A_129 = vector.load %arg1[%get3A_127, %get3A_128] : memref<32x160xf32, #tpu.memory_space<vmem>>, vector<32x16xf32>
    %reduce_sum3A_130 = vector.shape_cast %get3A_129 : vector<32x16xf32> to vector<1x32x16xf32>
    %reduce_sum3A_131 = arith.constant dense<0.000000e+00> : vector<1xf32>
    %reduce_sum3A_132 = vector.multi_reduction <add>, %reduce_sum3A_130, %reduce_sum3A_131 [1, 2] : vector<1x32x16xf32> to vector<1xf32>
    %reduce_sum3A_133 = vector.shape_cast %reduce_sum3A_132 : vector<1xf32> to vector<1x1x1xf32>
    %reduce_sum3A_134 = vector.extract %reduce_sum3A_133[0, 0, 0] : f32 from vector<1x1x1xf32>
    %gt3A_135 = arith.constant 0.000000e+00 : f32
    %gt3A_136 = arith.cmpf ogt, %reduce_sum3A_126, %gt3A_135 : f32
    %jit3A_137 = arith.constant 1.000000e+00 : f32
    %jit3A_138 = arith.constant 0.000000e+00 : f32
    %select_n3A_139 = arith.select %gt3A_136, %jit3A_137, %jit3A_138 : f32
    %add3A_140 = arith.addf %add3A_111, %select_n3A_139 : f32
    %max3A_141 = arith.constant 1.000000e+00 : f32
    %max3A_142 = arith.maximumf %reduce_sum3A_126, %max3A_141 : f32
    %div3A_143 = arith.divf %max3A_6, %max3A_142 : f32
    %mul3A_144 = arith.mulf %div3A_143, %reduce_sum3A_134 : f32
    %jit3A_145 = arith.constant 0.000000e+00 : f32
    %select_n3A_146 = arith.select %gt3A_136, %mul3A_144, %jit3A_145 : f32
    %add3A_147 = arith.addf %add3A_118, %select_n3A_146 : f32
    %get3A_148 = arith.constant 0 : index
    %get3A_149 = arith.constant 80 : index
    %get3A_150 = vector.load %arg0[%get3A_148, %get3A_149] : memref<32x160xf32, #tpu.memory_space<vmem>>, vector<32x16xf32>
    %reduce_sum3A_151 = vector.shape_cast %get3A_150 : vector<32x16xf32> to vector<1x32x16xf32>
    %reduce_sum3A_152 = arith.constant dense<0.000000e+00> : vector<1xf32>
    %reduce_sum3A_153 = vector.multi_reduction <add>, %reduce_sum3A_151, %reduce_sum3A_152 [1, 2] : vector<1x32x16xf32> to vector<1xf32>
    %reduce_sum3A_154 = vector.shape_cast %reduce_sum3A_153 : vector<1xf32> to vector<1x1x1xf32>
    %reduce_sum3A_155 = vector.extract %reduce_sum3A_154[0, 0, 0] : f32 from vector<1x1x1xf32>
    %get3A_156 = arith.constant 0 : index
    %get3A_157 = arith.constant 80 : index
    %get3A_158 = vector.load %arg1[%get3A_156, %get3A_157] : memref<32x160xf32, #tpu.memory_space<vmem>>, vector<32x16xf32>
    %reduce_sum3A_159 = vector.shape_cast %get3A_158 : vector<32x16xf32> to vector<1x32x16xf32>
    %reduce_sum3A_160 = arith.constant dense<0.000000e+00> : vector<1xf32>
    %reduce_sum3A_161 = vector.multi_reduction <add>, %reduce_sum3A_159, %reduce_sum3A_160 [1, 2] : vector<1x32x16xf32> to vector<1xf32>
    %reduce_sum3A_162 = vector.shape_cast %reduce_sum3A_161 : vector<1xf32> to vector<1x1x1xf32>
    %reduce_sum3A_163 = vector.extract %reduce_sum3A_162[0, 0, 0] : f32 from vector<1x1x1xf32>
    %gt3A_164 = arith.constant 0.000000e+00 : f32
    %gt3A_165 = arith.cmpf ogt, %reduce_sum3A_155, %gt3A_164 : f32
    %jit3A_166 = arith.constant 1.000000e+00 : f32
    %jit3A_167 = arith.constant 0.000000e+00 : f32
    %select_n3A_168 = arith.select %gt3A_165, %jit3A_166, %jit3A_167 : f32
    %add3A_169 = arith.addf %add3A_140, %select_n3A_168 : f32
    %max3A_170 = arith.constant 1.000000e+00 : f32
    %max3A_171 = arith.maximumf %reduce_sum3A_155, %max3A_170 : f32
    %div3A_172 = arith.divf %max3A_6, %max3A_171 : f32
    %mul3A_173 = arith.mulf %div3A_172, %reduce_sum3A_163 : f32
    %jit3A_174 = arith.constant 0.000000e+00 : f32
    %select_n3A_175 = arith.select %gt3A_165, %mul3A_173, %jit3A_174 : f32
    %add3A_176 = arith.addf %add3A_147, %select_n3A_175 : f32
    %get3A_177 = arith.constant 0 : index
    %get3A_178 = arith.constant 96 : index
    %get3A_179 = vector.load %arg0[%get3A_177, %get3A_178] : memref<32x160xf32, #tpu.memory_space<vmem>>, vector<32x16xf32>
    %reduce_sum3A_180 = vector.shape_cast %get3A_179 : vector<32x16xf32> to vector<1x32x16xf32>
    %reduce_sum3A_181 = arith.constant dense<0.000000e+00> : vector<1xf32>
    %reduce_sum3A_182 = vector.multi_reduction <add>, %reduce_sum3A_180, %reduce_sum3A_181 [1, 2] : vector<1x32x16xf32> to vector<1xf32>
    %reduce_sum3A_183 = vector.shape_cast %reduce_sum3A_182 : vector<1xf32> to vector<1x1x1xf32>
    %reduce_sum3A_184 = vector.extract %reduce_sum3A_183[0, 0, 0] : f32 from vector<1x1x1xf32>
    %get3A_185 = arith.constant 0 : index
    %get3A_186 = arith.constant 96 : index
    %get3A_187 = vector.load %arg1[%get3A_185, %get3A_186] : memref<32x160xf32, #tpu.memory_space<vmem>>, vector<32x16xf32>
    %reduce_sum3A_188 = vector.shape_cast %get3A_187 : vector<32x16xf32> to vector<1x32x16xf32>
    %reduce_sum3A_189 = arith.constant dense<0.000000e+00> : vector<1xf32>
    %reduce_sum3A_190 = vector.multi_reduction <add>, %reduce_sum3A_188, %reduce_sum3A_189 [1, 2] : vector<1x32x16xf32> to vector<1xf32>
    %reduce_sum3A_191 = vector.shape_cast %reduce_sum3A_190 : vector<1xf32> to vector<1x1x1xf32>
    %reduce_sum3A_192 = vector.extract %reduce_sum3A_191[0, 0, 0] : f32 from vector<1x1x1xf32>
    %gt3A_193 = arith.constant 0.000000e+00 : f32
    %gt3A_194 = arith.cmpf ogt, %reduce_sum3A_184, %gt3A_193 : f32
    %jit3A_195 = arith.constant 1.000000e+00 : f32
    %jit3A_196 = arith.constant 0.000000e+00 : f32
    %select_n3A_197 = arith.select %gt3A_194, %jit3A_195, %jit3A_196 : f32
    %add3A_198 = arith.addf %add3A_169, %select_n3A_197 : f32
    %max3A_199 = arith.constant 1.000000e+00 : f32
    %max3A_200 = arith.maximumf %reduce_sum3A_184, %max3A_199 : f32
    %div3A_201 = arith.divf %max3A_6, %max3A_200 : f32
    %mul3A_202 = arith.mulf %div3A_201, %reduce_sum3A_192 : f32
    %jit3A_203 = arith.constant 0.000000e+00 : f32
    %select_n3A_204 = arith.select %gt3A_194, %mul3A_202, %jit3A_203 : f32
    %add3A_205 = arith.addf %add3A_176, %select_n3A_204 : f32
    %get3A_206 = arith.constant 0 : index
    %get3A_207 = arith.constant 112 : index
    %get3A_208 = vector.load %arg0[%get3A_206, %get3A_207] : memref<32x160xf32, #tpu.memory_space<vmem>>, vector<32x16xf32>
    %reduce_sum3A_209 = vector.shape_cast %get3A_208 : vector<32x16xf32> to vector<1x32x16xf32>
    %reduce_sum3A_210 = arith.constant dense<0.000000e+00> : vector<1xf32>
    %reduce_sum3A_211 = vector.multi_reduction <add>, %reduce_sum3A_209, %reduce_sum3A_210 [1, 2] : vector<1x32x16xf32> to vector<1xf32>
    %reduce_sum3A_212 = vector.shape_cast %reduce_sum3A_211 : vector<1xf32> to vector<1x1x1xf32>
    %reduce_sum3A_213 = vector.extract %reduce_sum3A_212[0, 0, 0] : f32 from vector<1x1x1xf32>
    %get3A_214 = arith.constant 0 : index
    %get3A_215 = arith.constant 112 : index
    %get3A_216 = vector.load %arg1[%get3A_214, %get3A_215] : memref<32x160xf32, #tpu.memory_space<vmem>>, vector<32x16xf32>
    %reduce_sum3A_217 = vector.shape_cast %get3A_216 : vector<32x16xf32> to vector<1x32x16xf32>
    %reduce_sum3A_218 = arith.constant dense<0.000000e+00> : vector<1xf32>
    %reduce_sum3A_219 = vector.multi_reduction <add>, %reduce_sum3A_217, %reduce_sum3A_218 [1, 2] : vector<1x32x16xf32> to vector<1xf32>
    %reduce_sum3A_220 = vector.shape_cast %reduce_sum3A_219 : vector<1xf32> to vector<1x1x1xf32>
    %reduce_sum3A_221 = vector.extract %reduce_sum3A_220[0, 0, 0] : f32 from vector<1x1x1xf32>
    %gt3A_222 = arith.constant 0.000000e+00 : f32
    %gt3A_223 = arith.cmpf ogt, %reduce_sum3A_213, %gt3A_222 : f32
    %jit3A_224 = arith.constant 1.000000e+00 : f32
    %jit3A_225 = arith.constant 0.000000e+00 : f32
    %select_n3A_226 = arith.select %gt3A_223, %jit3A_224, %jit3A_225 : f32
    %add3A_227 = arith.addf %add3A_198, %select_n3A_226 : f32
    %max3A_228 = arith.constant 1.000000e+00 : f32
    %max3A_229 = arith.maximumf %reduce_sum3A_213, %max3A_228 : f32
    %div3A_230 = arith.divf %max3A_6, %max3A_229 : f32
    %mul3A_231 = arith.mulf %div3A_230, %reduce_sum3A_221 : f32
    %jit3A_232 = arith.constant 0.000000e+00 : f32
    %select_n3A_233 = arith.select %gt3A_223, %mul3A_231, %jit3A_232 : f32
    %add3A_234 = arith.addf %add3A_205, %select_n3A_233 : f32
    %get3A_235 = arith.constant 0 : index
    %get3A_236 = arith.constant 128 : index
    %get3A_237 = vector.load %arg0[%get3A_235, %get3A_236] : memref<32x160xf32, #tpu.memory_space<vmem>>, vector<32x16xf32>
    %reduce_sum3A_238 = vector.shape_cast %get3A_237 : vector<32x16xf32> to vector<1x32x16xf32>
    %reduce_sum3A_239 = arith.constant dense<0.000000e+00> : vector<1xf32>
    %reduce_sum3A_240 = vector.multi_reduction <add>, %reduce_sum3A_238, %reduce_sum3A_239 [1, 2] : vector<1x32x16xf32> to vector<1xf32>
    %reduce_sum3A_241 = vector.shape_cast %reduce_sum3A_240 : vector<1xf32> to vector<1x1x1xf32>
    %reduce_sum3A_242 = vector.extract %reduce_sum3A_241[0, 0, 0] : f32 from vector<1x1x1xf32>
    %get3A_243 = arith.constant 0 : index
    %get3A_244 = arith.constant 128 : index
    %get3A_245 = vector.load %arg1[%get3A_243, %get3A_244] : memref<32x160xf32, #tpu.memory_space<vmem>>, vector<32x16xf32>
    %reduce_sum3A_246 = vector.shape_cast %get3A_245 : vector<32x16xf32> to vector<1x32x16xf32>
    %reduce_sum3A_247 = arith.constant dense<0.000000e+00> : vector<1xf32>
    %reduce_sum3A_248 = vector.multi_reduction <add>, %reduce_sum3A_246, %reduce_sum3A_247 [1, 2] : vector<1x32x16xf32> to vector<1xf32>
    %reduce_sum3A_249 = vector.shape_cast %reduce_sum3A_248 : vector<1xf32> to vector<1x1x1xf32>
    %reduce_sum3A_250 = vector.extract %reduce_sum3A_249[0, 0, 0] : f32 from vector<1x1x1xf32>
    %gt3A_251 = arith.constant 0.000000e+00 : f32
    %gt3A_252 = arith.cmpf ogt, %reduce_sum3A_242, %gt3A_251 : f32
    %jit3A_253 = arith.constant 1.000000e+00 : f32
    %jit3A_254 = arith.constant 0.000000e+00 : f32
    %select_n3A_255 = arith.select %gt3A_252, %jit3A_253, %jit3A_254 : f32
    %add3A_256 = arith.addf %add3A_227, %select_n3A_255 : f32
    %max3A_257 = arith.constant 1.000000e+00 : f32
    %max3A_258 = arith.maximumf %reduce_sum3A_242, %max3A_257 : f32
    %div3A_259 = arith.divf %max3A_6, %max3A_258 : f32
    %mul3A_260 = arith.mulf %div3A_259, %reduce_sum3A_250 : f32
    %jit3A_261 = arith.constant 0.000000e+00 : f32
    %select_n3A_262 = arith.select %gt3A_252, %mul3A_260, %jit3A_261 : f32
    %add3A_263 = arith.addf %add3A_234, %select_n3A_262 : f32
    %get3A_264 = arith.constant 0 : index
    %get3A_265 = arith.constant 144 : index
    %get3A_266 = vector.load %arg0[%get3A_264, %get3A_265] : memref<32x160xf32, #tpu.memory_space<vmem>>, vector<32x16xf32>
    %reduce_sum3A_267 = vector.shape_cast %get3A_266 : vector<32x16xf32> to vector<1x32x16xf32>
    %reduce_sum3A_268 = arith.constant dense<0.000000e+00> : vector<1xf32>
    %reduce_sum3A_269 = vector.multi_reduction <add>, %reduce_sum3A_267, %reduce_sum3A_268 [1, 2] : vector<1x32x16xf32> to vector<1xf32>
    %reduce_sum3A_270 = vector.shape_cast %reduce_sum3A_269 : vector<1xf32> to vector<1x1x1xf32>
    %reduce_sum3A_271 = vector.extract %reduce_sum3A_270[0, 0, 0] : f32 from vector<1x1x1xf32>
    %get3A_272 = arith.constant 0 : index
    %get3A_273 = arith.constant 144 : index
    %get3A_274 = vector.load %arg1[%get3A_272, %get3A_273] : memref<32x160xf32, #tpu.memory_space<vmem>>, vector<32x16xf32>
    %reduce_sum3A_275 = vector.shape_cast %get3A_274 : vector<32x16xf32> to vector<1x32x16xf32>
    %reduce_sum3A_276 = arith.constant dense<0.000000e+00> : vector<1xf32>
    %reduce_sum3A_277 = vector.multi_reduction <add>, %reduce_sum3A_275, %reduce_sum3A_276 [1, 2] : vector<1x32x16xf32> to vector<1xf32>
    %reduce_sum3A_278 = vector.shape_cast %reduce_sum3A_277 : vector<1xf32> to vector<1x1x1xf32>
    %reduce_sum3A_279 = vector.extract %reduce_sum3A_278[0, 0, 0] : f32 from vector<1x1x1xf32>
    %gt3A_280 = arith.constant 0.000000e+00 : f32
    %gt3A_281 = arith.cmpf ogt, %reduce_sum3A_271, %gt3A_280 : f32
    %jit3A_282 = arith.constant 1.000000e+00 : f32
    %jit3A_283 = arith.constant 0.000000e+00 : f32
    %select_n3A_284 = arith.select %gt3A_281, %jit3A_282, %jit3A_283 : f32
    %add3A_285 = arith.addf %add3A_256, %select_n3A_284 : f32
    %max3A_286 = arith.constant 1.000000e+00 : f32
    %max3A_287 = arith.maximumf %reduce_sum3A_271, %max3A_286 : f32
    %div3A_288 = arith.divf %max3A_6, %max3A_287 : f32
    %mul3A_289 = arith.mulf %div3A_288, %reduce_sum3A_279 : f32
    %jit3A_290 = arith.constant 0.000000e+00 : f32
    %select_n3A_291 = arith.select %gt3A_281, %mul3A_289, %jit3A_290 : f32
    %add3A_292 = arith.addf %add3A_263, %select_n3A_291 : f32
    %max3A_293 = arith.constant 1.000000e+00 : f32
    %max3A_294 = arith.maximumf %add3A_285, %max3A_293 : f32
    %div3A_295 = arith.divf %add3A_292, %max3A_294 : f32
    %mul3A_296 = arith.constant 5.000000e-07 : f32
    %mul3A_297 = arith.mulf %div3A_295, %mul3A_296 : f32
    %swap3A = arith.constant 0 : index
    %swap3A_298 = arith.constant 0 : index
    %swap3A_299 = memref.load %arg3[%swap3A, %swap3A_298] : memref<1x1xf32, #tpu.memory_space<smem>>
    memref.store %mul3A_297, %arg3[%swap3A, %swap3A_298] : memref<1x1xf32, #tpu.memory_space<smem>>
    return
  }
}

</mosaic_0001>

<sc_bundles>
// kernel: kernel.4.cloned.1.call-start
scs
__scs_entry_jumppad:
0x0: {  	(pc) =	sbr.rel $0x88, $3  }
0x1: {  	(tag) =	ssettag $0x0;
	lr =	simm.s32 $0x1  }
0x2: {  	[smem:$0x3F9E] =	sst lr;
	_ =	strace $0xD0000000  }
0x3: {  	_ = 	snop  }
0x4: {  	_ = 	snop  }
0x5: {  	_ = 	snop  }
0x6: {  	_ = 	snop  }
0x7: {  	_ = 	snop  }
__scs_overlays_trampoline_lowered:
0x8: {  	[smem:$0x3FAD] =	sst s0  }
0x9: {  	[smem:$0x3FAE] =	sst s1  }
0xa: {  	[smem:$0x3FAF] =	sst s2  }
0xb: {  	[smem:$0x3FB0] =	sst s3  }
0xc: {  	[smem:$0x3FB1] =	sst s4  }
0xd: {  	[smem:$0x3FB2] =	sst s5  }
0xe: {  	[smem:$0x3FB3] =	sst s6  }
0xf: {  	[smem:$0x3FB4] =	sst s7  }
0x10: {  	[smem:$0x3FB5] =	sst s8  }
0x11: {  	[smem:$0x3FB6] =	sst s9;
	s0 =	simm.s32 @!p0 $0x0  }
0x12: {  	s1 =	sld [smem:$0x3F9C];
	s0 =	simm.s32 @p0 $0x1  }
0x13: {  	[smem:$0x3FB7] =	sst s0;
	s0 =	simm.s32 @!p1 $0x0  }
0x14: {  	s2 =	sld [smem:$0x3F9B];
	s0 =	simm.s32 @p1 $0x1  }
0x15: {  	[smem:$0x3FB8] =	sst s0;
	s0 =	simm.s32 @!p2 $0x0  }
0x16: {  	s3 =	sld [smem:$0x3FDB];
	s0 =	simm.s32 @p2 $0x1  }
0x17: {  	s4 =	simm.s32 $0x1BF5;
	[smem:$0x3FBA] =	sst s0  }
0x18: {  	s0 =	sld [smem:$0x3F9D];
	_ =	swait.ge [sflag:s4], $0x0  }
0x19: {  	s7 =	sld [smem:$0x3F9E]  }
0x1a: {  	s8 =	sadd.s32 $0xFFFFE003, lr  }
0x1b: {  	s9 =	sadd.s32 $0xFFFFFEF7, lr;
	s5 =	simm.s32 $0xFFFFFFFF;
	p2 =	slt.u32 s8, $0xFFFFF086  }
0x1c: {  	p1 =	slt.u32 s9, $0xF7A;
	s5 =	simm.s32 @!p2 $0x0  }
0x1d: {  	s5 =	simm.s32 @p1 $0x1;
	p0 =	seq.s32 s7, s2  }
0x1e: {  	s7 =	smul.u32 @!p0 $0xF7A, s2;
	p2 =	seq.s32 @!p0 s5, $0x0  }
0x1f: {  	s9 =	smul.u32 $0xF7A, s1;
	s8 =	simm.s32 @!p0 $0x1BF5;
	p2 =	por !p2, p0  }
0x20: {  	[sflag:s8] =	ssyncset.s32 @!p0 $0xFFFFF086;
	s6 =	sadd.s32 @!p0 s3, s7;
	s7 =	simm.s32 @!p0 $0x108  }
0x21: {  	s3 =	sadd.s32 s3, s9;
	s6 =	sadd.s32 @!p0 $0x88, s6;
	s7 =	simm.s32 @p2 $0x1082  }
0x22: {  	[simem:s7], [sflag:s8] =	dma.local @!p0 [hbm:s6], $0xF7A  }
0x23: {  	s9 =	sor.u32 $0xD0000000, s2;
	s6 =	simm.s32 $0x108;
	_ =	swait.ge @!p0 [sflag:s8], $0x0  }
0x24: {  	s3 =	sadd.s32 $0x88, s3;
	s6 =	simm.s32 @!p1 $0x1082;
	[sflag:s4] =	ssyncset.s32 $0xFFFFF086  }
0x25: {  	[simem:s6], [sflag:s4] =	dma.local [hbm:s3], $0xF7A  }
0x26: {  	[smem:$0x3F9E] =	sst s1;
	(tag) =	ssettag s2;
	_ =	strace s9  }
0x27: {  	s1 =	sld [smem:$0x3FAE]  }
0x28: {  	s2 =	sld [smem:$0x3FAF]  }
0x29: {  	s4 =	sld [smem:$0x3FB1]  }
0x2a: {  	p0 =	seq.s32 s5, $0x0;
	s5 =	sld [smem:$0x3FB2]  }
0x2b: {  	s6 =	sld [smem:$0x3FB3]  }
0x2c: {  	s7 =	sld [smem:$0x3FB4]  }
0x2d: {  	s3 =	simm.s32 $0x108;
	s8 =	sld [smem:$0x3FB5]  }
0x2e: {  	s3 =	simm.s32 @!p0 $0x1082;
	s9 =	sld [smem:$0x3FB6]  }
0x2f: {  	lr =	sadd.s32 s0, s3;
	s0 =	sld [smem:$0x3FAD]  }
0x30: {  	s3 =	sld [smem:$0x3FB0]  }
0x31: {  	[smem:$0x3FB9] =	sst s10  }
0x32: {  	s10 =	sld [smem:$0x3FB7];
	_ =	sdelay $0x3  }
0x33: {  	p0 =	seq.s32 s10, $0x1;
	s10 =	sld [smem:$0x3FB9];
	_ =	sdelay $0x3  }
0x34: {  	[smem:$0x3FB9] =	sst s10  }
0x35: {  	s10 =	sld [smem:$0x3FB8];
	_ =	sdelay $0x3  }
0x36: {  	p1 =	seq.s32 s10, $0x1;
	s10 =	sld [smem:$0x3FB9];
	_ =	sdelay $0x3  }
0x37: {  	[smem:$0x3FB9] =	sst s10  }
0x38: {  	s10 =	sld [smem:$0x3FBA]  }
0x39: {  	_ = 	snop;
	(pc) =	sbr.ind lr, $3  }
0x3a: {  	_ = 	snop  }
0x3b: {  	_ = 	snop  }
0x3c: {  	p2 =	seq.s32 s10, $0x1;
	s10 =	sld [smem:$0x3FB9]  }
0x3d: {  	_ =	shalt  }
0x3e: {  	_ =	shalt  }
0x3f: {  	_ =	shalt  }
0x40: {  	_ =	shalt  }
0x41: {  	_ =	shalt  }
0x42: {  	_ =	shalt  }
0x43: {  	_ =	shalt  }
0x44: {  	_ =	shalt  }
0x45: {  	_ =	shalt  }
0x46: {  	_ =	shalt  }
0x47: {  	_ =	shalt  }
0x48: {  	_ =	shalt  }
0x49: {  	_ =	shalt  }
0x4a: {  	_ =	shalt  }
0x4b: {  	_ =	shalt  }
0x4c: {  	_ =	shalt  }
0x4d: {  	_ =	shalt  }
0x4e: {  	_ =	shalt  }
0x4f: {  	_ =	shalt  }
0x50: {  	_ =	shalt  }
0x51: {  	_ =	shalt  }
0x52: {  	_ =	shalt  }
0x53: {  	_ =	shalt  }
0x54: {  	_ =	shalt  }
0x55: {  	_ =	shalt  }
0x56: {  	_ =	shalt  }
0x57: {  	_ =	shalt  }
0x58: {  	_ =	shalt  }
0x59: {  	_ =	shalt  }
0x5a: {  	_ =	shalt  }
0x5b: {  	_ =	shalt  }
0x5c: {  	_ =	shalt  }
0x5d: {  	_ =	shalt  }
0x5e: {  	_ =	shalt  }
0x5f: {  	_ =	shalt  }
0x60: {  	_ =	shalt  }
0x61: {  	_ =	shalt  }
0x62: {  	_ =	shalt  }
0x63: {  	_ =	shalt  }
0x64: {  	_ =	shalt  }
0x65: {  	_ =	shalt  }
0x66: {  	_ =	shalt  }
0x67: {  	_ =	shalt  }
0x68: {  	_ =	shalt  }
0x69: {  	_ =	shalt  }
0x6a: {  	_ =	shalt  }
0x6b: {  	_ =	shalt  }
0x6c: {  	_ =	shalt  }
0x6d: {  	_ =	shalt  }
0x6e: {  	_ =	shalt  }
0x6f: {  	_ =	shalt  }
0x70: {  	_ =	shalt  }
0x71: {  	_ =	shalt  }
0x72: {  	_ =	shalt  }
0x73: {  	_ =	shalt  }
0x74: {  	_ =	shalt  }
0x75: {  	_ =	shalt  }
0x76: {  	_ =	shalt  }
0x77: {  	_ =	shalt  }
0x78: {  	_ =	shalt  }
0x79: {  	_ =	shalt  }
0x7a: {  	_ =	shalt  }
0x7b: {  	_ =	shalt  }
0x7c: {  	_ =	shalt  }
0x7d: {  	_ =	shalt  }
0x7e: {  	_ =	shalt  }
0x7f: {  	_ =	shalt  }
0x80: {  	_ =	shalt  }
0x81: {  	_ =	shalt  }
0x82: {  	_ =	shalt  }
0x83: {  	_ =	shalt  }
0x84: {  	_ =	shalt  }
0x85: {  	_ =	shalt  }
0x86: {  	_ =	shalt  }
0x87: {  	_ =	shalt  }
.Lfunc_end0:
.L_simem_size_0:
called_computation_lowered:
.L_overlay_start_0:
0x88: {  	s2 =	sld [smem:$0x3FD9]  }
0x89: {  	s3 =	sld [smem:$0x3FFE];
	_ =	sdelay $0x1  }
0x8a: {  	s1 =	srdreg.scid  }
0x8b: {  	s0 =	sand.u32 $0x1, s1  }
0x8c: {  	s16 =	sshll.u32 s0, $0xA;
	s2 =	sadd.s32 s3, s2  }
0x8d: {  	s2 =	sadd.s32 s2, s16  }
0x8e: {  	[smem:$0x3FC5] =	sst s2  }
0x8f: {  	_ = 	snop  }
0x90: {  	(tm) =	ssettm $0x1  }
0x91: {  	s17 =	sld [smem:$0x3FFB];
	_ =	sdelay $0x3  }
0x92: {  	_ =	strace s17  }
0x93: {  	s2 =	sld [smem:$0x3FFC];
	_ =	sdelay $0x3  }
0x94: {  	_ =	strace s2  }
0x95: {  	s2 =	sld [smem:$0x3FFD];
	_ =	sdelay $0x3  }
0x96: {  	_ =	strace s2  }
0x97: {  	_ =	strace $0x8FFFFFFF  }
0x98: {  	s18 =	sld [smem:$0x3FDB];
	_ =	sdelay $0x1  }
0x99: {  	s19 =	simm.s32 $_scs_section_size  }
0x9a: {  	s4 =	simm.s32 $_size__tile_overlayer_lowered;
	s5 =	simm.s32 $_tile_overlayer_lowered  }
0x9b: {  	s22 =	simm.s32 $0x1BFF;
	s21 =	sshll.u32 s5, $0x1;
	s2 =	sadd.s32 s19, s18  }
0x9c: {  	s6 =	simm.s32 $0x0;
	s20 =	sshll.u32 s4, $0x1;
	s4 =	sadd.s32 s21, s2  }
0x9d: {  	[timem:s6], [sflag:s22] =	dma.local [hbm:s4], s20  }
0x9e: {  	_ =	swait.ge [sflag:s22], s20  }
0x9f: {  	s3 =	ssub.s32 $0x0, s20;
	[sflag:s22] =	ssyncset.done $0x0  }
0xa0: {  	[sflag:s22] =	ssyncadd.s32 s3;
	_ =	sdelay $0x1  }
0xa1: {  	s23 =	simm.s32 $0x1B8B  }
0xa2: {  	_ =	swait.ge [sflag:s23], $0x1  }
0xa3: {  	[sflag:s23] =	ssyncset.done $0x0  }
0xa4: {  	s25 =	simm.s32 $0x1B8E;
	s24 =	sld [smem:$0x3FFE];
	[sflag:s23] =	ssyncadd.s32 $0xFFFFFFFF  }
0xa5: {  	s26 =	simm.s32 $execute0_lowered;
	[smem:$0x3FD2] =	sst s25  }
0xa6: {  	s4 =	sshll.u32 s26, $0x1;
	_ =	strace $0x80000046;
	[dreg:$0x1] =	wrdreg $0xFFFFFFFF  }
0xa7: {  	s28 =	simm.s32 $_size_execute0_lowered;
	s2 =	sadd.s32 s2, s4;
	[dreg:$0x0] =	wrdreg $0x0  }
0xa8: {  	s4 =	sshll.u32 s28, $0x1;
	[dreg:$0x2] =	wrdreg s2  }
0xa9: {  	[dreg:$0x3] =	wrdreg s4  }
0xaa: {  	[dreg:$0x4] =	wrdreg $0xC0  }
0xab: {  	_ =	task [dreg:s6], $0x5FFFF  }
0xac: {  	[dreg:$0x1] =	wrdreg $0xFFFFFFFF  }
0xad: {  	[dreg:$0x0] =	wrdreg $0x60  }
0xae: {  	[dreg:$0x2] =	wrdreg s24  }
0xaf: {  	[dreg:$0x3] =	wrdreg $0x9  }
0xb0: {  	_ =	task.clear_ibuf [dreg:s6], $0x4FFFF;
	_ =	strace $0x90000046  }
0xb1: {  	s29 =	simm.s32 $0x9;
	_ =	strace $0x80000048  }
0xb2: {  	_ =	swait.ge [sflag:s29], $0x1  }
0xb3: {  	[sflag:s29] =	ssyncadd.s32 $0xFFFFFFFF  }
0xb4: {  	_ =	strace $0x90000048  }
0xb5: {  	_ =	sfence  }
0xb6: {  	s30 =	sld [smem:$0x0];
	_ =	sdelay $0x2  }
0xb7: {  	s31 =	sshll.u32 s1, $0xD;
	s1 =	sshrl.u32 s1, $0x2  }
0xb8: {  	s3 =	sand.u32 $0x4000, s31;
	s1 =	sadd.s32 s1, s30  }
0xb9: {  	s0 =	sor.u32 s3, s0;
	s1 =	sshll.u32 s1, $0x11  }
0xba: {  	s0 =	sor.u32 s1, s0  }
0xbb: {  	s0 =	sadd.s32 $0x8F2B, s0  }
0xbc: {  	[sflag:s0] =	ssyncadd.remote.s32 $0x1  }
0xbd: {  	_ =	sfence.sel $0xFFFF  }
0xbe: {  	[dreg:$0x0] =	wrdreg $0xFFFFFFFF;
	(pc) =	sbr.abs _section_cstart, $3  }
0xbf: {  	[dreg:$0x1] =	wrdreg $0xFFFFFFFF  }
0xc0: {  	_ =	task.clear_ibuf [dreg:s6], $0x2FFFF;
	_ =	strace $0x9FFFFFFF  }
0xc1: {  	(tm) =	ssettm $0x7FFFFFFF  }
tec
execute0_lowered:
.L_overlay_start_1:
0x0: {  	(tag) =	ssettag $0x1  }
0x1: {  	s1 =	srdreg.scid;
	s0 =	stileid.u32  }
0x2: {  	s5 =	rddreg [dreg:$0x0];
	s3 =	simm.s32 $0x0;
	s12 =	simm.s32 $0x19100  }
0x3: {  	s13 =	simm.s32 $0x19200;
	s14 =	simm.s32 $0x2;
	s15 =	simm.s32 $0x80  }
0x4: {  	s16 =	simm.s32 $0x400;
	s17 =	simm.s32 $0x3;
	s18 =	simm.s32 $0x0  }
0x5: {  	s6 =	sand.u32 $0x1, s1;
	s2 =	sshll.u32 s0, $0x1;
	s1 =	rddreg [dreg:$0x1]  }
0x6: {  	s4 =	sshrl.u32 s0, $0x2;
	[smem:$0x7FF] =	sst s3;
	s2 =	sor.u32 s6, s2  }
0x7: {  	s8 =	sshll.u32 s4, $0xB;
	_ =	strace $0x80000047;
	s9 =	sshll.u32 s4, $0xA  }
0x8: {  	s4 =	sadd.s32 $0xE00, s5;
	s6 =	ssub.s32 $0x2, s6;
	s7 =	sshll.u32 s2, $0x7  }
0x9: {  	s30 =	smul.u32 $0x1900, s2;
	s31 =	sshrl.u32 s6, $0x1;
	s7 =	sand.u32 $0x380, s7  }
.Ltmp0:
0xa: {  	s11 =	ssub.s32 s6, s31;
	s8 =	sor.u32 s8, s7;
	(pc) =	sbr.rel .LBB2_1-.Ltmp0, $4  }
0xb: {  	s7 =	sor.u32 s9, s7;
	s9 =	smax.u32 s11, $0x1;
	s8 =	sshrl.u32 s8, $0x3  }
0xc: {  	v0 =	vlaneseq.u32;
	s11 =	simm.s32 $0x19000;
	s7 =	sshrl.u32 s7, $0x3;
	s8 =	sadd.s32 s8, s5  }
0xd: {  	v1 =	vimm.f32 $0.0e+00;
	v3 =	vshrl.u32 v0, $0x2;
	v2 =	vand.u32 $0x3, v0;
	s10 =	sadd.s32 s7, s5;
	s5 =	sadd.s32 s4, s30;
	s6 =	sadd.s32 $0x7A2000, s8  }
0xe: {  	v3 =	vmul.u32 $0x80, v3;
	v4 =	vor.u32 $0x4, v2;
	v5 =	vor.u32 $0x8, v2;
	s7 =	sadd.s32 $0x7A2400, s8;
	s8 =	sadd.s32 $0x7A2800, s10;
	s10 =	simm.s32 $0x1  }
.LBB2_11:
0xf: {  	[hbm4b:s6+s15] =	stream.strided.scatter [tilespmem:s11], [sflag:$0x3], $0x100, s16, s15, $0x38;
	[tilespmem:$0x19280] =	vst v63  }
0x10: {  	_ =	swait.ge [sflag:s17], $0x100  }
0x11: {  	[sflag:s17] =	ssyncset.done $0x0  }
0x12: {  	[sflag:s17] =	ssyncadd.s32 $0xFFFFFF00  }
0x13: {  	[hbm4b:s7+s15] =	stream.strided.scatter [tilespmem:s12], [sflag:$0x3], $0x100, s16, s15, $0x38;
	[tilespmem:$0x19280] =	vst v63  }
0x14: {  	s18 =	sadd.s32 $0x1, s18;
	_ =	swait.ge [sflag:s17], $0x100  }
0x15: {  	p0 =	sne.s32 s18, s9;
	[sflag:s17] =	ssyncset.done $0x0  }
.Ltmp1:
0x16: {  	[sflag:s17] =	ssyncadd.s32 $0xFFFFFF00;
	(pc) =	sbr.rel @!p0 .LBB2_12-.Ltmp1, $4  }
0x17: {  	[hbm4b:s8+s3] =	stream.linear.scatter [tilespmem:s13], [sflag:$0x3], $0x80, $0x38;
	[tilespmem:$0x19280] =	vst v63  }
0x18: {  	_ =	swait.ge [sflag:s17], $0x80  }
0x19: {  	[sflag:s17] =	ssyncset.done $0x0  }
0x1a: {  	[sflag:s17] =	ssyncadd.s32 $0xFFFFFF80  }
.LBB2_1:
0x1b: {  	[tilespmem:$0x19000] =	vst v1  }
0x1c: {  	[tilespmem:$0x19100] =	vst v1  }
0x1d: {  	[tilespmem:$0x19010] =	vst v1  }
0x1e: {  	[tilespmem:$0x19110] =	vst v1  }
0x1f: {  	[tilespmem:$0x19020] =	vst v1  }
0x20: {  	[tilespmem:$0x19120] =	vst v1  }
0x21: {  	[tilespmem:$0x19030] =	vst v1  }
0x22: {  	[tilespmem:$0x19130] =	vst v1  }
0x23: {  	[tilespmem:$0x19040] =	vst v1  }
0x24: {  	[tilespmem:$0x19140] =	vst v1  }
0x25: {  	[tilespmem:$0x19050] =	vst v1  }
0x26: {  	[tilespmem:$0x19150] =	vst v1  }
0x27: {  	[tilespmem:$0x19060] =	vst v1  }
0x28: {  	[tilespmem:$0x19160] =	vst v1  }
0x29: {  	[tilespmem:$0x19070] =	vst v1  }
0x2a: {  	[tilespmem:$0x19170] =	vst v1  }
0x2b: {  	[tilespmem:$0x19080] =	vst v1  }
.Ltmp2:
0x2c: {  	[tilespmem:$0x19180] =	vst v1;
	(pc) =	sbr.rel .LBB2_2-.Ltmp2, $4  }
0x2d: {  	[tilespmem:$0x19090] =	vst v1  }
0x2e: {  	[tilespmem:$0x19190] =	vst v1  }
0x2f: {  	[tilespmem:$0x19200] =	vst v1;
	s19 =	simm.s32 $0x0  }
0x30: {  	[tilespmem:s3], [sflag:$0x1] =	stream.linear.gather [hbm4b:s5+s3], $0xC800, $0x38;
	[tilespmem:$0x19280] =	vst v63  }
.LBB2_10:
0x31: {  	s19 =	sadd.s32 $0x1, s19  }
0x32: {  	p0 =	sne.s32 s19, $0x14  }
.Ltmp3:
0x33: {  	_ = 	snop;
	(pc) =	sbr.rel @!p0 .LBB2_11-.Ltmp3, $1  }
0x34: {  	_ =	sdelay $0x3  }
.LBB2_2:
0x35: {  	s20 =	sshll.u32 s19, $0x6  }
0x36: {  	s20 =	sor.u32 s2, s20  }
0x37: {  	s22 =	simm.s32 $0x0;
	s21 =	sor.u32 $0x20, s20  }
0x38: {  	v6 =	vmov s22;
	p0 =	sgt.u32 s21, $0x4E1  }
0x39: {  	v6 =	vshll.u32 v6, $0x7;
	s21 =	smul.u32 @!p0 $0x1900, s21  }
0x3a: {  	v6 =	vor.u32 v3, v6  }
0x3b: {  	s22 =	simm.s32 @!p0 $0x0;
	s23 =	simm.s32 @!p0 $0xC800;
	v7 =	vor.u32 v2, v6;
	s21 =	sadd.s32 @!p0 s4, s21  }
0x3c: {  	v8 =	vor.u32 v4, v6;
	[tilespmem:s23], [sflag:$0x2] =	stream.linear.gather @!p0 [hbm4b:s21+s22], $0xC800, $0x38;
	[tilespmem:$0x19280] =	vst v63  }
0x3d: {  	_ =	swait.ge [sflag:s10], $0xC800  }
0x3e: {  	[sflag:s10] =	ssyncset.done $0x0  }
0x3f: {  	[sflag:s10] =	ssyncadd.s32 $0xFFFF3800  }
0x40: {  	v7 =	vld.idx.msk [tilespmem:v7+s3+$0x0], $0xffff  }
0x41: {  	v8 =	vld.idx.msk [tilespmem:v8+s3+$0x0], $0xffff;
	_ =	sdelay $0x4  }
0x42: {  	v7 =	vsub.f32 v7, v8;
	_ =	sdelay $0x1  }
0x43: {  	v8 =	vmul.f32 v7, v7;
	_ =	sdelay $0x1  }
0x44: {  	v8 =	vadd.f32 $3.999999900e-04, v8;
	_ =	sdelay $0x1  }
0x45: {  	v9 =	vshrl.u32 v8, $0x1;
	v10 =	vmul.f32 $5.000000000e-01, v8  }
0x46: {  	v9 =	vsub.s32 $0x5F3759DF, v9  }
0x47: {  	v11 =	vmul.f32 v9, v10;
	_ =	sdelay $0x1  }
0x48: {  	v11 =	vmul.f32 v9, v11;
	_ =	sdelay $0x1  }
0x49: {  	v11 =	vsub.f32 $1.500000000e+00, v11;
	_ =	sdelay $0x1  }
0x4a: {  	v9 =	vmul.f32 v9, v11;
	_ =	sdelay $0x1  }
0x4b: {  	v10 =	vmul.f32 v9, v10;
	_ =	sdelay $0x1  }
0x4c: {  	v10 =	vmul.f32 v10, v9;
	_ =	sdelay $0x1  }
0x4d: {  	v10 =	vsub.f32 $1.500000000e+00, v10;
	_ =	sdelay $0x1  }
0x4e: {  	v9 =	vmul.f32 v10, v9  }
0x4f: {  	v7 =	vand.u32 $0x7FFFFFFF, v7  }
0x50: {  	v7 =	vmul.f32 v9, v7;
	_ =	sdelay $0x1  }
0x51: {  	v7 =	vmul.f32 $1.000000000e+01, v7  }
0x52: {  	v6 =	vor.u32 v5, v6  }
0x53: {  	v7 =	vtrunc.f32 v7  }
0x54: {  	v7 =	vcvt.f32.s32 v7;
	_ =	sdelay $0x1  }
0x55: {  	vm0 =	vgt.s32 v7, $0x0  }
0x56: {  	v10 =	vnsel vm0, $0x0, v7;
	v7 =	vld.idx.msk [tilespmem:v6+s3+$0x0], $0xffff  }
0x57: {  	v9 =	vmul.f32 v9, v8;
	v6 =	vmin.u32 v10, $0x9  }
0x58: {  	v6 =	vshll.u32 v6, $0x4  }
0x59: {  	s31 =	simm.s32 $0x4;
	v8 =	vor.u32 v0, v6;
	v6 =	vadd.f32 $-1.999999960e-02, v9  }
0x5a: {  	v9 =	vmov s31  }
0x5b: {  	v11 =	vmul.f32 v6, v7;
	v6 =	vshll.u32 v9, $0x7  }
0x5c: {  	v6 =	vor.u32 v3, v6  }
0x5d: {  	vm15 =	vgt.f32 v7, $0.0e+00;
	v10 =	vor.u32 v2, v6  }
0x5e: {  	v12 =	vsel vm15, $0x3F800000, v1;
	v9 =	vor.u32 v4, v6  }
0x5f: {  	s21 =	simm.s32 $0x8;
	v11 =	vnsel vm15, $0x0, v11;
	[tilespmem:v8+s11+$0x0] =	vst.idx.add.f32.msk $0xffff, v12  }
.LBB2_3:
0x60: {  	p1 =	sne.s32 s21, $0x18C;
	[tilespmem:v8+s12+$0x0] =	vst.idx.add.f32.msk $0xffff, v11;
	s22 =	smov.u32 s21;
	s21 =	sadd.s32 $0x4, s21  }
0x61: {  	[tilespmem:s13+$0x0] =	vst.add.f32.msk $0xffff, v7  }
0x62: {  	v7 =	vld.idx.msk [tilespmem:v10+s3+$0x0], $0xffff  }
0x63: {  	v8 =	vld.idx.msk [tilespmem:v9+s3+$0x0], $0xffff;
	_ =	sdelay $0x5  }
0x64: {  	v8 =	vsub.f32 v7, v8;
	_ =	sdelay $0x1  }
0x65: {  	v7 =	vmul.f32 v8, v8;
	_ =	sdelay $0x1  }
0x66: {  	v9 =	vadd.f32 $3.999999900e-04, v7;
	_ =	sdelay $0x1  }
0x67: {  	v7 =	vshrl.u32 v9, $0x1;
	v10 =	vmul.f32 $5.000000000e-01, v9  }
0x68: {  	v7 =	vsub.s32 $0x5F3759DF, v7  }
0x69: {  	v11 =	vmul.f32 v7, v10;
	_ =	sdelay $0x1  }
0x6a: {  	v11 =	vmul.f32 v7, v11;
	_ =	sdelay $0x1  }
0x6b: {  	v11 =	vsub.f32 $1.500000000e+00, v11;
	_ =	sdelay $0x1  }
0x6c: {  	v11 =	vmul.f32 v7, v11;
	_ =	sdelay $0x1  }
0x6d: {  	v7 =	vmul.f32 v11, v10  }
0x6e: {  	v6 =	vor.u32 v5, v6  }
0x6f: {  	v7 =	vmul.f32 v7, v11;
	_ =	sdelay $0x1  }
0x70: {  	v10 =	vsub.f32 $1.500000000e+00, v7;
	_ =	sdelay $0x1  }
0x71: {  	v8 =	vand.u32 $0x7FFFFFFF, v8;
	v7 =	vld.idx.msk [tilespmem:v6+s3+$0x0], $0xffff;
	v6 =	vmul.f32 v10, v11;
	_ =	sdelay $0x1  }
0x72: {  	v9 =	vmul.f32 v6, v9;
	v6 =	vmul.f32 v6, v8;
	_ =	sdelay $0x1  }
0x73: {  	v8 =	vadd.f32 $-1.999999960e-02, v9;
	v6 =	vmul.f32 $1.000000000e+01, v6;
	_ =	sdelay $0x1  }
0x74: {  	v11 =	vmul.f32 v8, v7;
	v6 =	vtrunc.f32 v6  }
0x75: {  	v6 =	vcvt.f32.s32 v6;
	_ =	sdelay $0x1  }
0x76: {  	vm0 =	vgt.s32 v6, $0x0  }
0x77: {  	v6 =	vnsel vm0, $0x0, v6  }
0x78: {  	v6 =	vmin.u32 v6, $0x9  }
0x79: {  	v6 =	vshll.u32 v6, $0x4  }
0x7a: {  	v9 =	vmov s22;
	v8 =	vor.u32 v0, v6  }
.Ltmp4:
0x7b: {  	v6 =	vshll.u32 v9, $0x7;
	(pc) =	sbr.rel @p1 .LBB2_3-.Ltmp4, $4  }
0x7c: {  	vm0 =	vgt.f32 v7, $0.0e+00;
	v6 =	vor.u32 v3, v6  }
0x7d: {  	v12 =	vsel vm0, $0x3F800000, v1;
	v10 =	vor.u32 v2, v6;
	v9 =	vor.u32 v4, v6  }
0x7e: {  	v11 =	vnsel vm0, $0x0, v11  }
0x7f: {  	[tilespmem:v8+s11+$0x0] =	vst.idx.add.f32.msk $0xffff, v12  }
0x80: {  	_ =	sdelay $0x3  }
0x81: {  	[tilespmem:v8+s12+$0x0] =	vst.idx.add.f32.msk $0xffff, v11  }
0x82: {  	[tilespmem:s13+$0x0] =	vst.add.f32.msk $0xffff, v7  }
0x83: {  	v7 =	vld.idx.msk [tilespmem:v10+s3+$0x0], $0xffff  }
0x84: {  	v8 =	vld.idx.msk [tilespmem:v9+s3+$0x0], $0xffff;
	_ =	sdelay $0x4  }
0x85: {  	v7 =	vsub.f32 v7, v8;
	_ =	sdelay $0x1  }
0x86: {  	v8 =	vmul.f32 v7, v7;
	_ =	sdelay $0x1  }
0x87: {  	v8 =	vadd.f32 $3.999999900e-04, v8;
	_ =	sdelay $0x1  }
0x88: {  	v60 =	vshrl.u32 v8, $0x1;
	v61 =	vmul.f32 $5.000000000e-01, v8  }
0x89: {  	v9 =	vsub.s32 $0x5F3759DF, v60  }
0x8a: {  	v62 =	vmul.f32 v9, v61;
	_ =	sdelay $0x1  }
0x8b: {  	v11 =	vmul.f32 v9, v62;
	_ =	sdelay $0x1  }
0x8c: {  	v11 =	vsub.f32 $1.500000000e+00, v11;
	_ =	sdelay $0x1  }
0x8d: {  	v9 =	vmul.f32 v9, v11;
	_ =	sdelay $0x1  }
0x8e: {  	v10 =	vmul.f32 v9, v61;
	_ =	sdelay $0x1  }
0x8f: {  	v10 =	vmul.f32 v10, v9;
	_ =	sdelay $0x1  }
0x90: {  	v10 =	vsub.f32 $1.500000000e+00, v10;
	_ =	sdelay $0x1  }
0x91: {  	v9 =	vmul.f32 v10, v9  }
0x92: {  	v7 =	vand.u32 $0x7FFFFFFF, v7  }
0x93: {  	v7 =	vmul.f32 v9, v7;
	_ =	sdelay $0x1  }
0x94: {  	v7 =	vmul.f32 $1.000000000e+01, v7;
	_ =	sdelay $0x1  }
0x95: {  	v6 =	vor.u32 v5, v6;
	v7 =	vtrunc.f32 v7  }
0x96: {  	v7 =	vcvt.f32.s32 v7;
	_ =	sdelay $0x1  }
0x97: {  	vm0 =	vgt.s32 v7, $0x0  }
0x98: {  	v7 =	vnsel vm0, $0x0, v7  }
0x99: {  	v6 =	vld.idx.msk [tilespmem:v6+s3+$0x0], $0xffff;
	v7 =	vmin.u32 v7, $0x9  }
0x9a: {  	v8 =	vmul.f32 v9, v8;
	v7 =	vshll.u32 v7, $0x4  }
0x9b: {  	v7 =	vor.u32 v0, v7  }
0x9c: {  	v8 =	vadd.f32 $-1.999999960e-02, v8  }
0x9d: {  	p1 =	sgt.u32 s20, $0x4A1  }
.Ltmp5:
0x9e: {  	vm15 =	vgt.f32 v6, $0.0e+00;
	v8 =	vmul.f32 v8, v6;
	(pc) =	sbr.rel @p1 .LBB2_6-.Ltmp5, $4  }
0x9f: {  	v63 =	vsel vm15, $0x3F800000, v1  }
0xa0: {  	v8 =	vnsel vm15, $0x0, v8;
	[tilespmem:v7+s11+$0x0] =	vst.idx.add.f32.msk $0xffff, v63  }
0xa1: {  	[tilespmem:v7+s12+$0x0] =	vst.idx.add.f32.msk $0xffff, v8  }
0xa2: {  	[tilespmem:s13+$0x0] =	vst.add.f32.msk $0xffff, v6  }
0xa3: {  	s20 =	smul.u32 $0xC800, s20  }
.Ltmp6:
0xa4: {  	_ = 	snop;
	(pc) =	sbr.rel .LBB2_7-.Ltmp6, $4  }
0xa5: {  	s20 =	sshrl.u32 s20, $0x3  }
0xa6: {  	s20 =	sadd.s32 s4, s20  }
0xa7: {  	s20 =	sadd.s32 $0x64000, s20  }
0xa8: {  	[tilespmem:s3], [sflag:$0x1] =	stream.linear.gather [hbm4b:s20+s3], $0xC800, $0x38;
	[tilespmem:$0x19280] =	vst v63  }
.LBB2_6:
.Ltmp7:
0xa9: {  	(pc) =	sbr.rel @p0 .LBB2_10-.Ltmp7, $1  }
0xaa: {  	_ =	sdelay $0x3  }
.LBB2_7:
0xab: {  	s20 =	simm.s32 $0x190  }
0xac: {  	v6 =	vmov s20  }
0xad: {  	v6 =	vshll.u32 v6, $0x7  }
0xae: {  	v6 =	vor.u32 v3, v6  }
0xaf: {  	v7 =	vor.u32 v2, v6  }
0xb0: {  	v8 =	vor.u32 v4, v6  }
0xb1: {  	_ =	swait.ge [sflag:s14], $0xC800  }
0xb2: {  	[sflag:s14] =	ssyncset.done $0x0  }
0xb3: {  	[sflag:s14] =	ssyncadd.s32 $0xFFFF3800  }
0xb4: {  	v7 =	vld.idx.msk [tilespmem:v7+s3+$0x0], $0xffff  }
0xb5: {  	v8 =	vld.idx.msk [tilespmem:v8+s3+$0x0], $0xffff;
	_ =	sdelay $0x4  }
0xb6: {  	v7 =	vsub.f32 v7, v8;
	_ =	sdelay $0x1  }
0xb7: {  	v8 =	vmul.f32 v7, v7;
	_ =	sdelay $0x1  }
0xb8: {  	v8 =	vadd.f32 $3.999999900e-04, v8;
	_ =	sdelay $0x1  }
0xb9: {  	v9 =	vshrl.u32 v8, $0x1;
	v10 =	vmul.f32 $5.000000000e-01, v8  }
0xba: {  	v9 =	vsub.s32 $0x5F3759DF, v9  }
0xbb: {  	v11 =	vmul.f32 v9, v10;
	_ =	sdelay $0x1  }
0xbc: {  	v11 =	vmul.f32 v9, v11;
	_ =	sdelay $0x1  }
0xbd: {  	v11 =	vsub.f32 $1.500000000e+00, v11;
	_ =	sdelay $0x1  }
0xbe: {  	v9 =	vmul.f32 v9, v11;
	_ =	sdelay $0x1  }
0xbf: {  	v10 =	vmul.f32 v9, v10;
	_ =	sdelay $0x1  }
0xc0: {  	v10 =	vmul.f32 v10, v9;
	_ =	sdelay $0x1  }
0xc1: {  	v10 =	vsub.f32 $1.500000000e+00, v10;
	_ =	sdelay $0x1  }
0xc2: {  	v9 =	vmul.f32 v10, v9  }
0xc3: {  	v7 =	vand.u32 $0x7FFFFFFF, v7  }
0xc4: {  	v7 =	vmul.f32 v9, v7;
	_ =	sdelay $0x1  }
0xc5: {  	v7 =	vmul.f32 $1.000000000e+01, v7  }
0xc6: {  	v6 =	vor.u32 v5, v6  }
0xc7: {  	v7 =	vtrunc.f32 v7  }
0xc8: {  	v7 =	vcvt.f32.s32 v7;
	_ =	sdelay $0x1  }
0xc9: {  	vm0 =	vgt.s32 v7, $0x0  }
0xca: {  	v10 =	vnsel vm0, $0x0, v7;
	v7 =	vld.idx.msk [tilespmem:v6+s3+$0x0], $0xffff  }
0xcb: {  	v9 =	vmul.f32 v9, v8;
	v6 =	vmin.u32 v10, $0x9  }
0xcc: {  	v6 =	vshll.u32 v6, $0x4  }
0xcd: {  	s31 =	simm.s32 $0x194;
	v8 =	vor.u32 v0, v6;
	v6 =	vadd.f32 $-1.999999960e-02, v9  }
0xce: {  	v9 =	vmov s31  }
0xcf: {  	v11 =	vmul.f32 v6, v7;
	v6 =	vshll.u32 v9, $0x7  }
0xd0: {  	v6 =	vor.u32 v3, v6  }
0xd1: {  	vm15 =	vgt.f32 v7, $0.0e+00;
	v10 =	vor.u32 v2, v6  }
0xd2: {  	v12 =	vsel vm15, $0x3F800000, v1;
	v9 =	vor.u32 v4, v6  }
0xd3: {  	s20 =	simm.s32 $0x198;
	v11 =	vnsel vm15, $0x0, v11;
	[tilespmem:v8+s11+$0x0] =	vst.idx.add.f32.msk $0xffff, v12  }
.LBB2_8:
0xd4: {  	p0 =	sne.s32 s20, $0x31C;
	[tilespmem:v8+s12+$0x0] =	vst.idx.add.f32.msk $0xffff, v11;
	s21 =	smov.u32 s20;
	s20 =	sadd.s32 $0x4, s20  }
0xd5: {  	[tilespmem:s13+$0x0] =	vst.add.f32.msk $0xffff, v7  }
0xd6: {  	v7 =	vld.idx.msk [tilespmem:v10+s3+$0x0], $0xffff  }
0xd7: {  	v8 =	vld.idx.msk [tilespmem:v9+s3+$0x0], $0xffff;
	_ =	sdelay $0x5  }
0xd8: {  	v8 =	vsub.f32 v7, v8;
	_ =	sdelay $0x1  }
0xd9: {  	v7 =	vmul.f32 v8, v8;
	_ =	sdelay $0x1  }
0xda: {  	v9 =	vadd.f32 $3.999999900e-04, v7;
	_ =	sdelay $0x1  }
0xdb: {  	v7 =	vshrl.u32 v9, $0x1;
	v10 =	vmul.f32 $5.000000000e-01, v9  }
0xdc: {  	v7 =	vsub.s32 $0x5F3759DF, v7  }
0xdd: {  	v11 =	vmul.f32 v7, v10;
	_ =	sdelay $0x1  }
0xde: {  	v11 =	vmul.f32 v7, v11;
	_ =	sdelay $0x1  }
0xdf: {  	v11 =	vsub.f32 $1.500000000e+00, v11;
	_ =	sdelay $0x1  }
0xe0: {  	v11 =	vmul.f32 v7, v11;
	_ =	sdelay $0x1  }
0xe1: {  	v7 =	vmul.f32 v11, v10  }
0xe2: {  	v6 =	vor.u32 v5, v6  }
0xe3: {  	v7 =	vmul.f32 v7, v11;
	_ =	sdelay $0x1  }
0xe4: {  	v10 =	vsub.f32 $1.500000000e+00, v7;
	_ =	sdelay $0x1  }
0xe5: {  	v8 =	vand.u32 $0x7FFFFFFF, v8;
	v7 =	vld.idx.msk [tilespmem:v6+s3+$0x0], $0xffff;
	v6 =	vmul.f32 v10, v11;
	_ =	sdelay $0x1  }
0xe6: {  	v9 =	vmul.f32 v6, v9;
	v6 =	vmul.f32 v6, v8;
	_ =	sdelay $0x1  }
0xe7: {  	v8 =	vadd.f32 $-1.999999960e-02, v9;
	v6 =	vmul.f32 $1.000000000e+01, v6;
	_ =	sdelay $0x1  }
0xe8: {  	v11 =	vmul.f32 v8, v7;
	v6 =	vtrunc.f32 v6  }
0xe9: {  	v6 =	vcvt.f32.s32 v6;
	_ =	sdelay $0x1  }
0xea: {  	vm0 =	vgt.s32 v6, $0x0  }
0xeb: {  	v6 =	vnsel vm0, $0x0, v6  }
0xec: {  	v6 =	vmin.u32 v6, $0x9  }
0xed: {  	v6 =	vshll.u32 v6, $0x4  }
0xee: {  	v9 =	vmov s21;
	v8 =	vor.u32 v0, v6  }
.Ltmp8:
0xef: {  	v6 =	vshll.u32 v9, $0x7;
	(pc) =	sbr.rel @p0 .LBB2_8-.Ltmp8, $4  }
0xf0: {  	vm0 =	vgt.f32 v7, $0.0e+00;
	v6 =	vor.u32 v3, v6  }
0xf1: {  	v12 =	vsel vm0, $0x3F800000, v1;
	v10 =	vor.u32 v2, v6;
	v9 =	vor.u32 v4, v6  }
0xf2: {  	v11 =	vnsel vm0, $0x0, v11  }
0xf3: {  	[tilespmem:v8+s11+$0x0] =	vst.idx.add.f32.msk $0xffff, v12  }
0xf4: {  	_ =	sdelay $0x3  }
0xf5: {  	[tilespmem:v8+s12+$0x0] =	vst.idx.add.f32.msk $0xffff, v11  }
0xf6: {  	[tilespmem:s13+$0x0] =	vst.add.f32.msk $0xffff, v7  }
0xf7: {  	v7 =	vld.idx.msk [tilespmem:v10+s3+$0x0], $0xffff  }
0xf8: {  	v8 =	vld.idx.msk [tilespmem:v9+s3+$0x0], $0xffff;
	_ =	sdelay $0x4  }
0xf9: {  	v7 =	vsub.f32 v7, v8;
	_ =	sdelay $0x1  }
0xfa: {  	v8 =	vmul.f32 v7, v7;
	_ =	sdelay $0x1  }
0xfb: {  	v8 =	vadd.f32 $3.999999900e-04, v8;
	_ =	sdelay $0x1  }
0xfc: {  	v60 =	vshrl.u32 v8, $0x1;
	v61 =	vmul.f32 $5.000000000e-01, v8  }
0xfd: {  	v9 =	vsub.s32 $0x5F3759DF, v60  }
0xfe: {  	v62 =	vmul.f32 v9, v61;
	_ =	sdelay $0x1  }
0xff: {  	v11 =	vmul.f32 v9, v62;
	_ =	sdelay $0x1  }
0x100: {  	v11 =	vsub.f32 $1.500000000e+00, v11;
	_ =	sdelay $0x1  }
0x101: {  	v9 =	vmul.f32 v9, v11;
	_ =	sdelay $0x1  }
0x102: {  	v10 =	vmul.f32 v9, v61;
	_ =	sdelay $0x1  }
0x103: {  	v10 =	vmul.f32 v10, v9;
	_ =	sdelay $0x1  }
0x104: {  	v10 =	vsub.f32 $1.500000000e+00, v10;
	_ =	sdelay $0x1  }
0x105: {  	v9 =	vmul.f32 v10, v9  }
0x106: {  	v7 =	vand.u32 $0x7FFFFFFF, v7  }
0x107: {  	v7 =	vmul.f32 v9, v7;
	_ =	sdelay $0x1  }
0x108: {  	v7 =	vmul.f32 $1.000000000e+01, v7;
	_ =	sdelay $0x1  }
0x109: {  	v6 =	vor.u32 v5, v6;
	v7 =	vtrunc.f32 v7  }
0x10a: {  	v7 =	vcvt.f32.s32 v7;
	_ =	sdelay $0x1  }
0x10b: {  	vm0 =	vgt.s32 v7, $0x0  }
0x10c: {  	v7 =	vnsel vm0, $0x0, v7  }
0x10d: {  	v6 =	vld.idx.msk [tilespmem:v6+s3+$0x0], $0xffff;
	v7 =	vmin.u32 v7, $0x9  }
0x10e: {  	v8 =	vmul.f32 v9, v8;
	v7 =	vshll.u32 v7, $0x4  }
0x10f: {  	v7 =	vor.u32 v0, v7  }
0x110: {  	v8 =	vadd.f32 $-1.999999960e-02, v8;
	_ =	sdelay $0x1  }
.Ltmp9:
0x111: {  	vm15 =	vgt.f32 v6, $0.0e+00;
	v8 =	vmul.f32 v8, v6;
	(pc) =	sbr.rel .LBB2_10-.Ltmp9, $4  }
0x112: {  	v63 =	vsel vm15, $0x3F800000, v1  }
0x113: {  	v8 =	vnsel vm15, $0x0, v8;
	[tilespmem:v7+s11+$0x0] =	vst.idx.add.f32.msk $0xffff, v63  }
0x114: {  	[tilespmem:v7+s12+$0x0] =	vst.idx.add.f32.msk $0xffff, v8  }
0x115: {  	[tilespmem:s13+$0x0] =	vst.add.f32.msk $0xffff, v6  }
.LBB2_12:
0x116: {  	_ =	sfence.sel $0x180000  }
0x117: {  	[bflag:$0x0] =	sbarrier.arrive $0xFFFF  }
0x118: {  	p0 =	sne.s32 s0, $0x0;
	_ =	strace $0x90000047  }
0x119: {  	s0 =	sadd.s32 @!p0 $0x100000, s1;
	[bflag:$0x2] =	sbarrier.arrive $0xFFFF  }
0x11a: {  	[sflag:s0] =	ssyncadd.tile.s32 @!p0 $0x1;
	_ =	shalt  }
.Lfunc_end2:
_tile_overlayer_lowered:
.L_overlay_start_2:
0x11b: {  	(tag) =	ssettag $0x2  }
0x11c: {  	s0 =	rddreg [dreg:$0x0];
	s2 =	stileid.u32  }
0x11d: {  	s1 =	rddreg [dreg:$0x1];
	p0 =	sne.s32 s2, $0x0  }
0x11e: {  	s3 =	rddreg [dreg:$0x2];
	[bflag:$0x3] =	sbarrier.arrive $0xFFFF;
	s2 =	simm.s32 @!p0 $0x1C03  }
0x11f: {  	[timem:s3], [sflag:s2] =	dma.local @!p0 [hbm:s0], s1  }
0x120: {  	s0 =	simm.s32 @!p0 $0x3  }
0x121: {  	_ =	swait.ge @!p0 [sflag:s0], s1  }
0x122: {  	s1 =	ssub.s32 @!p0 $0x0, s1;
	[sflag:s0] =	ssyncset.done @!p0 $0x0  }
0x123: {  	[sflag:s0] =	ssyncadd.s32 @!p0 s1  }
0x124: {  	[bflag:$0x3] =	sbarrier.arrive $0xFFFF  }
0x125: {  	_ =	shalt  }

</sc_bundles>
